<compile_context>
chip_gen: v7x
topology: tpu7x:2x2x1
jax: 0.10.2.dev20260603
libtpu: 0.0.44.dev20260713+nightly
codegen_flags: <defaults>
</compile_context>

<pallas_src>
import jax
import jax.numpy as jnp
from jax import lax
from jax.experimental import pallas as pl
from jax.experimental.pallas import tpu as pltpu
from jax.experimental.pallas import tpu_sc as plsc

RES = 16384
NNZ = 2684354
LEAK = 0.6
BIAS = 1.6

NC = 2
NS = 16
NW = NC * NS
LANES = 16

CHUNK = 4096
NBUF = 3
VPC = CHUNK // LANES
NFULL = NNZ // CHUNK
TBASE = NFULL * CHUNK
TAIL = NNZ - TBASE
TFULL = TAIL // LANES
TREM = TAIL - TFULL * LANES
NMAX = (NFULL + NW - 1) // NW
NOUTER = (NMAX + NBUF - 1) // NBUF


def _spmv_body(res_hbm, rows_hbm, cols_hbm, vals_hbm, out_hbm,
               state_v, acc_v,
               rowbuf0, rowbuf1, rowbuf2,
               colbuf0, colbuf1, colbuf2,
               valbuf0, valbuf1, valbuf2,
               sem0, sem1, sem2):
    wid = lax.axis_index("s") * NC + lax.axis_index("c")
    nmine = (NFULL - wid + NW - 1) // NW
    rowbufs = (rowbuf0, rowbuf1, rowbuf2)
    colbufs = (colbuf0, colbuf1, colbuf2)
    valbufs = (valbuf0, valbuf1, valbuf2)
    sems = (sem0, sem1, sem2)

    def _start(k, b):
        base = (wid + k * NW) * CHUNK
        pltpu.async_copy(rows_hbm.at[pl.ds(base, CHUNK)], rowbufs[b], sems[b])
        pltpu.async_copy(cols_hbm.at[pl.ds(base, CHUNK)], colbufs[b], sems[b])
        pltpu.async_copy(vals_hbm.at[pl.ds(base, CHUNK)], valbufs[b], sems[b])

    def _drain(k, b):
        base = (wid + k * NW) * CHUNK
        pltpu.make_async_copy(rows_hbm.at[pl.ds(base, CHUNK)], rowbufs[b], sems[b]).wait()
        pltpu.make_async_copy(cols_hbm.at[pl.ds(base, CHUNK)], colbufs[b], sems[b]).wait()
        pltpu.make_async_copy(vals_hbm.at[pl.ds(base, CHUNK)], valbufs[b], sems[b]).wait()

    _start(0, 0)

    @pl.when(1 < nmine)
    def _p1():
        _start(1, 1)

    pltpu.sync_copy(res_hbm, state_v)
    zeros = jnp.zeros((LANES,), jnp.float32)

    @plsc.parallel_loop(0, RES // LANES, unroll=16)
    def _z(i):
        acc_v[pl.ds(i * LANES, LANES)] = zeros

    def _process(b):
        @plsc.parallel_loop(0, VPC, unroll=16)
        def _v(j):
            off = j * LANES
            idx = colbufs[b][pl.ds(off, LANES)]
            r = rowbufs[b][pl.ds(off, LANES)]
            v = valbufs[b][pl.ds(off, LANES)]
            g = plsc.load_gather(state_v, [idx])
            plsc.addupdate_scatter(acc_v, [r], v * g)

    def _outer(t, c):
        for b in range(NBUF):
            k = NBUF * t + b

            @pl.when(k + 2 < nmine)
            def _pref():
                _start(k + 2, (b + 2) % NBUF)

            @pl.when(k < nmine)
            def _proc():
                _drain(k, b)
                _process(b)
        return c
    lax.fori_loop(0, NOUTER, _outer, 0)

    @pl.when(wid == NW - 1)
    def _tail():
        pltpu.sync_copy(rows_hbm.at[pl.ds(TBASE, TAIL)], rowbuf0.at[pl.ds(0, TAIL)])
        pltpu.sync_copy(cols_hbm.at[pl.ds(TBASE, TAIL)], colbuf0.at[pl.ds(0, TAIL)])
        pltpu.sync_copy(vals_hbm.at[pl.ds(TBASE, TAIL)], valbuf0.at[pl.ds(0, TAIL)])

        @plsc.parallel_loop(0, TFULL, unroll=1)
        def _v(j):
            off = j * LANES
            idx = colbuf0[pl.ds(off, LANES)]
            r = rowbuf0[pl.ds(off, LANES)]
            v = valbuf0[pl.ds(off, LANES)]
            g = plsc.load_gather(state_v, [idx])
            plsc.addupdate_scatter(acc_v, [r], v * g)

        off = TFULL * LANES
        m = lax.iota(jnp.int32, LANES) < TREM
        idx = colbuf0[pl.ds(off, LANES)]
        r = rowbuf0[pl.ds(off, LANES)]
        v = valbuf0[pl.ds(off, LANES)]
        g = plsc.load_gather(state_v, [idx], mask=m)
        plsc.addupdate_scatter(acc_v, [r], v * g, mask=m)

    pltpu.sync_copy(acc_v, out_hbm.at[wid])


_spmv = pl.kernel(
    _spmv_body,
    out_type=jax.ShapeDtypeStruct((NW, RES), jnp.float32),
    mesh=plsc.VectorSubcoreMesh(core_axis_name="c", subcore_axis_name="s"),
    compiler_params=pltpu.CompilerParams(needs_layout_passes=False),
    scratch_types=[
        pltpu.VMEM((RES,), jnp.float32),
        pltpu.VMEM((RES,), jnp.float32),
        pltpu.VMEM((CHUNK,), jnp.int32),
        pltpu.VMEM((CHUNK,), jnp.int32),
        pltpu.VMEM((CHUNK,), jnp.int32),
        pltpu.VMEM((CHUNK,), jnp.int32),
        pltpu.VMEM((CHUNK,), jnp.int32),
        pltpu.VMEM((CHUNK,), jnp.int32),
        pltpu.VMEM((CHUNK,), jnp.float32),
        pltpu.VMEM((CHUNK,), jnp.float32),
        pltpu.VMEM((CHUNK,), jnp.float32),
        pltpu.SemaphoreType.DMA,
        pltpu.SemaphoreType.DMA,
        pltpu.SemaphoreType.DMA,
    ],
)


def _finish_body(part_ref, res_ref, proj_ref, out_ref):
    s = jnp.sum(part_ref[...], axis=0)
    out_ref[...] = ((1.0 - LEAK) * res_ref[...]
                    + LEAK * jnp.tanh(s + proj_ref[...] + BIAS))


_finish = pl.pallas_call(
    _finish_body,
    out_shape=jax.ShapeDtypeStruct((128, 128), jnp.float32),
)


def kernel(proj_vars, res_state, wr_rows, wr_cols, wr_vals):
    partials = _spmv(res_state, wr_rows, wr_cols, wr_vals)
    out = _finish(partials.reshape(NW, 128, 128),
                  res_state.reshape(128, 128),
                  proj_vars.reshape(128, 128))
    return out.reshape(RES)

# --- scband reference (transcript-rebuilt; emitter-appended) ---
"""Pipeline reference for scband-esndriver-25082609008885 (READ-ONLY COPY).

The authoritative reference and input builder live on the scoring server;
editing this copy changes nothing except your own understanding.
"""

import jax, jax.numpy as jnp
import numpy as np

RES_DIM = 16384
DENSITY = 0.01
LEAK = 0.6
SPECTRAL_RADIUS = 0.8
BIAS = 1.6
NNZ = int(RES_DIM * RES_DIM * DENSITY)


def setup_inputs(seed: int = 0) -> dict:
    key = jax.random.key(seed)
    k1, k2, k3, k4, k5 = jax.random.split(key, 5)
    proj_vars = jax.random.normal(k1, (RES_DIM,), dtype=jnp.float32)
    res_state = jax.random.normal(k2, (RES_DIM,), dtype=jnp.float32)
    wr_rows = jax.random.randint(k3, (NNZ,), 0, RES_DIM, dtype=jnp.int32)
    wr_cols = jax.random.randint(k4, (NNZ,), 0, RES_DIM, dtype=jnp.int32)
    # circular-law spectral radius estimate for sparse gaussian matrix: sqrt(n * density)
    scale = SPECTRAL_RADIUS / np.sqrt(RES_DIM * DENSITY)
    wr_vals = jax.random.normal(k5, (NNZ,), dtype=jnp.float32) * scale
    return {"proj_vars": proj_vars, "res_state": res_state, "wr_rows": wr_rows, "wr_cols": wr_cols, "wr_vals": wr_vals}


def reference(proj_vars, res_state, wr_rows, wr_cols, wr_vals):
    # sparse matvec: wr @ res_state via gather + scatter-add (COO)
    gathered = wr_vals * res_state[wr_cols]
    spmv = jnp.zeros_like(res_state).at[wr_rows].add(gathered)
    # discrete ESN update: (1-leak)*x + leak*tanh(Wr x + proj + bias)
    new_state = (1.0 - LEAK) * res_state + LEAK * jnp.tanh(spmv + proj_vars + BIAS)
    return new_state

if __name__ == "__main__":
    import jax
    _d = setup_inputs()
    print(jax.jit(kernel)(*tuple(_d.values())))

</pallas_src>

<mosaic_0001>
#map = affine_map<(d0, d1) -> (0)>
#map1 = affine_map<(d0, d1) -> (0, 0)>
module attributes {stable_mosaic.version = 14 : i64} {
  func.func @_spmv_body(%arg0: i32, %arg1: i32, %arg2: memref<16384xf32, #tpu.memory_space<hbm>>, %arg3: memref<2684354xi32, #tpu.memory_space<hbm>>, %arg4: memref<2684354xi32, #tpu.memory_space<hbm>>, %arg5: memref<2684354xf32, #tpu.memory_space<hbm>>, %arg6: memref<32x16384xf32, #tpu.memory_space<hbm>>, %arg7: memref<16384xf32, #tpu.memory_space<vmem>>, %arg8: memref<16384xf32, #tpu.memory_space<vmem>>, %arg9: memref<4096xi32, #tpu.memory_space<vmem>>, %arg10: memref<4096xi32, #tpu.memory_space<vmem>>, %arg11: memref<4096xi32, #tpu.memory_space<vmem>>, %arg12: memref<4096xi32, #tpu.memory_space<vmem>>, %arg13: memref<4096xi32, #tpu.memory_space<vmem>>, %arg14: memref<4096xi32, #tpu.memory_space<vmem>>, %arg15: memref<4096xf32, #tpu.memory_space<vmem>>, %arg16: memref<4096xf32, #tpu.memory_space<vmem>>, %arg17: memref<4096xf32, #tpu.memory_space<vmem>>, %arg18: memref<!tpu.dma_semaphore, #tpu.memory_space<semaphore_mem>>, %arg19: memref<!tpu.dma_semaphore, #tpu.memory_space<semaphore_mem>>, %arg20: memref<!tpu.dma_semaphore, #tpu.memory_space<semaphore_mem>>) attributes {dimension_semantics = [#tpu.dimension_semantics<core_parallel>, #tpu.dimension_semantics<subcore_parallel>], iteration_bounds = array<i64: 2, 16>, scalar_prefetch = 0 : i64, scratch_operands = 14 : i64, tpu.core_type = #tpu.core_type<sc_vector_subcore>, window_params = [{transform_indices = #map}, {transform_indices = #map}, {transform_indices = #map}, {transform_indices = #map}, {transform_indices = #map1}]} {
    %mul3A = arith.constant 2 : i32
    %mul3A_0 = arith.muli %arg1, %mul3A : i32
    %add3A = arith.addi %mul3A_0, %arg0 : i32
    %sub3A = arith.constant 655 : i32
    %sub3A_1 = arith.subi %sub3A, %add3A : i32
    %add3A_2 = arith.constant 32 : i32
    %add3A_3 = arith.addi %sub3A_1, %add3A_2 : i32
    %sub3A_4 = arith.constant 1 : i32
    %sub3A_5 = arith.subi %add3A_3, %sub3A_4 : i32
    %jit3A = arith.constant 32 : i32
    %div3A = arith.divsi %sub3A_5, %jit3A : i32
    %sign3A = arith.constant 0 : i32
    %sign3A_6 = arith.cmpi sgt, %sub3A_5, %sign3A : i32
    %sign3A_7 = arith.extui %sign3A_6 : i1 to i32
    %sign3A_8 = arith.constant 0 : i32
    %sign3A_9 = arith.cmpi slt, %sub3A_5, %sign3A_8 : i32
    %sign3A_10 = arith.extui %sign3A_9 : i1 to i32
    %sign3A_11 = arith.subi %sign3A_7, %sign3A_10 : i32
    %sign3A_12 = arith.constant 0 : i32
    %sign3A_13 = arith.cmpi sgt, %jit3A, %sign3A_12 : i32
    %sign3A_14 = arith.extui %sign3A_13 : i1 to i32
    %sign3A_15 = arith.constant 0 : i32
    %sign3A_16 = arith.cmpi slt, %jit3A, %sign3A_15 : i32
    %sign3A_17 = arith.extui %sign3A_16 : i1 to i32
    %sign3A_18 = arith.subi %sign3A_14, %sign3A_17 : i32
    %ne3A = arith.cmpi ne, %sign3A_11, %sign3A_18 : i32
    %rem3A = arith.remsi %sub3A_5, %jit3A : i32
    %ne3A_19 = arith.constant 0 : i32
    %ne3A_20 = arith.cmpi ne, %rem3A, %ne3A_19 : i32
    %and3A = arith.andi %ne3A, %ne3A_20 : i1
    %sub3A_21 = arith.constant 1 : i32
    %sub3A_22 = arith.subi %div3A, %sub3A_21 : i32
    %select_n3A = arith.select %and3A, %sub3A_22, %div3A : i32
    %add3A_23 = arith.constant 0 : i32
    %add3A_24 = arith.addi %add3A, %add3A_23 : i32
    %mul3A_25 = arith.constant 4096 : i32
    %mul3A_26 = arith.muli %add3A_24, %mul3A_25 : i32
    %dma_start3A = tpu.memref_slice %arg3[%mul3A_26] : memref<2684354xi32, #tpu.memory_space<hbm>> -> memref<4096xi32, #tpu.memory_space<hbm>>
    %dma_start3A_27 = tpu.memref_slice %arg3[%mul3A_26] : memref<2684354xi32, #tpu.memory_space<hbm>> -> memref<4096xi32, #tpu.memory_space<hbm>>
    tpu.enqueue_dma source(%dma_start3A_27 : memref<4096xi32, #tpu.memory_space<hbm>>) target(%arg9 : memref<4096xi32, #tpu.memory_space<vmem>>) target_semaphore(%arg18 : memref<!tpu.dma_semaphore, #tpu.memory_space<semaphore_mem>>)
    %dma_start3A_28 = tpu.memref_slice %arg4[%mul3A_26] : memref<2684354xi32, #tpu.memory_space<hbm>> -> memref<4096xi32, #tpu.memory_space<hbm>>
    %dma_start3A_29 = tpu.memref_slice %arg4[%mul3A_26] : memref<2684354xi32, #tpu.memory_space<hbm>> -> memref<4096xi32, #tpu.memory_space<hbm>>
    tpu.enqueue_dma source(%dma_start3A_29 : memref<4096xi32, #tpu.memory_space<hbm>>) target(%arg12 : memref<4096xi32, #tpu.memory_space<vmem>>) target_semaphore(%arg18 : memref<!tpu.dma_semaphore, #tpu.memory_space<semaphore_mem>>)
    %dma_start3A_30 = tpu.memref_slice %arg5[%mul3A_26] : memref<2684354xf32, #tpu.memory_space<hbm>> -> memref<4096xf32, #tpu.memory_space<hbm>>
    %dma_start3A_31 = tpu.memref_slice %arg5[%mul3A_26] : memref<2684354xf32, #tpu.memory_space<hbm>> -> memref<4096xf32, #tpu.memory_space<hbm>>
    tpu.enqueue_dma source(%dma_start3A_31 : memref<4096xf32, #tpu.memory_space<hbm>>) target(%arg15 : memref<4096xf32, #tpu.memory_space<vmem>>) target_semaphore(%arg18 : memref<!tpu.dma_semaphore, #tpu.memory_space<semaphore_mem>>)
    %gt3A = arith.constant 1 : i32
    %gt3A_32 = arith.cmpi sgt, %select_n3A, %gt3A : i32
    %convert_element_type3A = arith.extui %gt3A_32 : i1 to i32
    %cond3A = arith.constant 0 : i32
    %cond3A_33 = arith.cmpi ne, %convert_element_type3A, %cond3A : i32
    scf.if %cond3A_33 {
      %add3A_46 = arith.constant 32 : i32
      %add3A_47 = arith.addi %add3A, %add3A_46 : i32
      %mul3A_48 = arith.constant 4096 : i32
      %mul3A_49 = arith.muli %add3A_47, %mul3A_48 : i32
      %dma_start3A_50 = tpu.memref_slice %arg3[%mul3A_49] : memref<2684354xi32, #tpu.memory_space<hbm>> -> memref<4096xi32, #tpu.memory_space<hbm>>
      %dma_start3A_51 = tpu.memref_slice %arg3[%mul3A_49] : memref<2684354xi32, #tpu.memory_space<hbm>> -> memref<4096xi32, #tpu.memory_space<hbm>>
      tpu.enqueue_dma source(%dma_start3A_51 : memref<4096xi32, #tpu.memory_space<hbm>>) target(%arg10 : memref<4096xi32, #tpu.memory_space<vmem>>) target_semaphore(%arg19 : memref<!tpu.dma_semaphore, #tpu.memory_space<semaphore_mem>>)
      %dma_start3A_52 = tpu.memref_slice %arg4[%mul3A_49] : memref<2684354xi32, #tpu.memory_space<hbm>> -> memref<4096xi32, #tpu.memory_space<hbm>>
      %dma_start3A_53 = tpu.memref_slice %arg4[%mul3A_49] : memref<2684354xi32, #tpu.memory_space<hbm>> -> memref<4096xi32, #tpu.memory_space<hbm>>
      tpu.enqueue_dma source(%dma_start3A_53 : memref<4096xi32, #tpu.memory_space<hbm>>) target(%arg13 : memref<4096xi32, #tpu.memory_space<vmem>>) target_semaphore(%arg19 : memref<!tpu.dma_semaphore, #tpu.memory_space<semaphore_mem>>)
      %dma_start3A_54 = tpu.memref_slice %arg5[%mul3A_49] : memref<2684354xf32, #tpu.memory_space<hbm>> -> memref<4096xf32, #tpu.memory_space<hbm>>
      %dma_start3A_55 = tpu.memref_slice %arg5[%mul3A_49] : memref<2684354xf32, #tpu.memory_space<hbm>> -> memref<4096xf32, #tpu.memory_space<hbm>>
      tpu.enqueue_dma source(%dma_start3A_55 : memref<4096xf32, #tpu.memory_space<hbm>>) target(%arg16 : memref<4096xf32, #tpu.memory_space<vmem>>) target_semaphore(%arg19 : memref<!tpu.dma_semaphore, #tpu.memory_space<semaphore_mem>>)
    } else {
    }
    "tpu.region"() ({
      %run_scoped3A = tpu.sem_alloc : memref<!tpu.dma_semaphore, #tpu.memory_space<semaphore_mem>>
      tpu.enqueue_dma source(%arg2 : memref<16384xf32, #tpu.memory_space<hbm>>) target(%arg7 : memref<16384xf32, #tpu.memory_space<vmem>>) target_semaphore(%run_scoped3A : memref<!tpu.dma_semaphore, #tpu.memory_space<semaphore_mem>>)
      tpu.wait_dma2 semaphore(%run_scoped3A : memref<!tpu.dma_semaphore, #tpu.memory_space<semaphore_mem>>) src(%arg2 : memref<16384xf32, #tpu.memory_space<hbm>>) dst(%arg7 : memref<16384xf32, #tpu.memory_space<vmem>>)
      tpu.yield
    }) : () -> ()
    %broadcast_in_dim3A = arith.constant 0.000000e+00 : f32
    %broadcast_in_dim3A_34 = vector.broadcast %broadcast_in_dim3A : f32 to vector<16xf32>
    %parallel_loop3A = arith.constant 0 : i32
    %parallel_loop3A_35 = arith.constant 1024 : i32
    %parallel_loop3A_36 = arith.constant 1 : i32
    scf.for %parallel_loop3A_46 = %parallel_loop3A to %parallel_loop3A_35 step %parallel_loop3A_36  : i32 {
      %parallel_loop3A_47 = arith.constant 16 : i32
      %parallel_loop3A_48 = arith.muli %parallel_loop3A_46, %parallel_loop3A_47 : i32
      %parallel_loop3A_49 = arith.index_cast %parallel_loop3A_48 : i32 to index
      %parallel_loop3A_50 = tpu.vector_load %arg8[%parallel_loop3A_49] {strides = array<i32>} : memref<16384xf32, #tpu.memory_space<vmem>>, vector<16xf32>,
      tpu.vector_store %arg8[%parallel_loop3A_49], %broadcast_in_dim3A_34 {strides = array<i32>} : memref<16384xf32, #tpu.memory_space<vmem>>, vector<16xf32>,
    } {sc.loop_unroll_factor = 16 : i64, sc.parallel_access}
    %scan3A = arith.constant 0 : i32
    %scan3A_37 = arith.constant 0 : i32
    %scan3A_38 = arith.constant 7 : i32
    %scan3A_39 = arith.addi %scan3A_37, %scan3A_38 : i32
    %scan3A_40 = arith.constant 1 : i32
    scf.for %scan3A_46 = %scan3A_37 to %scan3A_39 step %scan3A_40  : i32 {
      %mul3A_47 = arith.constant 3 : i32
      %mul3A_48 = arith.muli %mul3A_47, %scan3A_46 : i32
      %add3A_49 = arith.constant 0 : i32
      %add3A_50 = arith.addi %mul3A_48, %add3A_49 : i32
      %add3A_51 = arith.constant 2 : i32
      %add3A_52 = arith.addi %add3A_50, %add3A_51 : i32
      %lt3A = arith.cmpi slt, %add3A_52, %select_n3A : i32
      %convert_element_type3A_53 = arith.extui %lt3A : i1 to i32
      %cond3A_54 = arith.constant 0 : i32
      %cond3A_55 = arith.cmpi ne, %convert_element_type3A_53, %cond3A_54 : i32
      scf.if %cond3A_55 {
        %add3A_88 = arith.constant 2 : i32
        %add3A_89 = arith.addi %add3A_50, %add3A_88 : i32
        %mul3A_90 = arith.constant 32 : i32
        %mul3A_91 = arith.muli %add3A_89, %mul3A_90 : i32
        %add3A_92 = arith.addi %add3A, %mul3A_91 : i32
        %mul3A_93 = arith.constant 4096 : i32
        %mul3A_94 = arith.muli %add3A_92, %mul3A_93 : i32
        %dma_start3A_95 = tpu.memref_slice %arg3[%mul3A_94] : memref<2684354xi32, #tpu.memory_space<hbm>> -> memref<4096xi32, #tpu.memory_space<hbm>>
        %dma_start3A_96 = tpu.memref_slice %arg3[%mul3A_94] : memref<2684354xi32, #tpu.memory_space<hbm>> -> memref<4096xi32, #tpu.memory_space<hbm>>
        tpu.enqueue_dma source(%dma_start3A_96 : memref<4096xi32, #tpu.memory_space<hbm>>) target(%arg11 : memref<4096xi32, #tpu.memory_space<vmem>>) target_semaphore(%arg20 : memref<!tpu.dma_semaphore, #tpu.memory_space<semaphore_mem>>)
        %dma_start3A_97 = tpu.memref_slice %arg4[%mul3A_94] : memref<2684354xi32, #tpu.memory_space<hbm>> -> memref<4096xi32, #tpu.memory_space<hbm>>
        %dma_start3A_98 = tpu.memref_slice %arg4[%mul3A_94] : memref<2684354xi32, #tpu.memory_space<hbm>> -> memref<4096xi32, #tpu.memory_space<hbm>>
        tpu.enqueue_dma source(%dma_start3A_98 : memref<4096xi32, #tpu.memory_space<hbm>>) target(%arg14 : memref<4096xi32, #tpu.memory_space<vmem>>) target_semaphore(%arg20 : memref<!tpu.dma_semaphore, #tpu.memory_space<semaphore_mem>>)
        %dma_start3A_99 = tpu.memref_slice %arg5[%mul3A_94] : memref<2684354xf32, #tpu.memory_space<hbm>> -> memref<4096xf32, #tpu.memory_space<hbm>>
        %dma_start3A_100 = tpu.memref_slice %arg5[%mul3A_94] : memref<2684354xf32, #tpu.memory_space<hbm>> -> memref<4096xf32, #tpu.memory_space<hbm>>
        tpu.enqueue_dma source(%dma_start3A_100 : memref<4096xf32, #tpu.memory_space<hbm>>) target(%arg17 : memref<4096xf32, #tpu.memory_space<vmem>>) target_semaphore(%arg20 : memref<!tpu.dma_semaphore, #tpu.memory_space<semaphore_mem>>)
      } else {
      }
      %lt3A_56 = arith.cmpi slt, %add3A_50, %select_n3A : i32
      %convert_element_type3A_57 = arith.extui %lt3A_56 : i1 to i32
      %cond3A_58 = arith.constant 0 : i32
      %cond3A_59 = arith.cmpi ne, %convert_element_type3A_57, %cond3A_58 : i32
      scf.if %cond3A_59 {
        %mul3A_88 = arith.constant 32 : i32
        %mul3A_89 = arith.muli %add3A_50, %mul3A_88 : i32
        %add3A_90 = arith.addi %add3A, %mul3A_89 : i32
        %mul3A_91 = arith.constant 4096 : i32
        %mul3A_92 = arith.muli %add3A_90, %mul3A_91 : i32
        %dma_wait3A = tpu.memref_slice %arg3[%mul3A_92] : memref<2684354xi32, #tpu.memory_space<hbm>> -> memref<4096xi32, #tpu.memory_space<hbm>>
        %dma_wait3A_93 = tpu.memref_slice %arg3[%mul3A_92] : memref<2684354xi32, #tpu.memory_space<hbm>> -> memref<4096xi32, #tpu.memory_space<hbm>>
        tpu.wait_dma2 semaphore(%arg18 : memref<!tpu.dma_semaphore, #tpu.memory_space<semaphore_mem>>) src(%dma_wait3A_93 : memref<4096xi32, #tpu.memory_space<hbm>>) dst(%arg9 : memref<4096xi32, #tpu.memory_space<vmem>>)
        %dma_wait3A_94 = tpu.memref_slice %arg4[%mul3A_92] : memref<2684354xi32, #tpu.memory_space<hbm>> -> memref<4096xi32, #tpu.memory_space<hbm>>
        %dma_wait3A_95 = tpu.memref_slice %arg4[%mul3A_92] : memref<2684354xi32, #tpu.memory_space<hbm>> -> memref<4096xi32, #tpu.memory_space<hbm>>
        tpu.wait_dma2 semaphore(%arg18 : memref<!tpu.dma_semaphore, #tpu.memory_space<semaphore_mem>>) src(%dma_wait3A_95 : memref<4096xi32, #tpu.memory_space<hbm>>) dst(%arg12 : memref<4096xi32, #tpu.memory_space<vmem>>)
        %dma_wait3A_96 = tpu.memref_slice %arg5[%mul3A_92] : memref<2684354xf32, #tpu.memory_space<hbm>> -> memref<4096xf32, #tpu.memory_space<hbm>>
        %dma_wait3A_97 = tpu.memref_slice %arg5[%mul3A_92] : memref<2684354xf32, #tpu.memory_space<hbm>> -> memref<4096xf32, #tpu.memory_space<hbm>>
        tpu.wait_dma2 semaphore(%arg18 : memref<!tpu.dma_semaphore, #tpu.memory_space<semaphore_mem>>) src(%dma_wait3A_97 : memref<4096xf32, #tpu.memory_space<hbm>>) dst(%arg15 : memref<4096xf32, #tpu.memory_space<vmem>>)
        %parallel_loop3A_98 = arith.constant 0 : i32
        %parallel_loop3A_99 = arith.constant 256 : i32
        %parallel_loop3A_100 = arith.constant 1 : i32
        scf.for %parallel_loop3A_101 = %parallel_loop3A_98 to %parallel_loop3A_99 step %parallel_loop3A_100  : i32 {
          %parallel_loop3A_102 = arith.constant 16 : i32
          %parallel_loop3A_103 = arith.muli %parallel_loop3A_101, %parallel_loop3A_102 : i32
          %parallel_loop3A_104 = arith.index_cast %parallel_loop3A_103 : i32 to index
          %parallel_loop3A_105 = tpu.vector_load %arg12[%parallel_loop3A_104] {strides = array<i32>} : memref<4096xi32, #tpu.memory_space<vmem>>, vector<16xi32>,
          %parallel_loop3A_106 = arith.index_cast %parallel_loop3A_103 : i32 to index
          %parallel_loop3A_107 = tpu.vector_load %arg9[%parallel_loop3A_106] {strides = array<i32>} : memref<4096xi32, #tpu.memory_space<vmem>>, vector<16xi32>,
          %parallel_loop3A_108 = arith.index_cast %parallel_loop3A_103 : i32 to index
          %parallel_loop3A_109 = tpu.vector_load %arg15[%parallel_loop3A_108] {strides = array<i32>} : memref<4096xf32, #tpu.memory_space<vmem>>, vector<16xf32>,
          %parallel_loop3A_110 = tpu.vector_load_idx %arg7[%parallel_loop3A_105] : memref<16384xf32, #tpu.memory_space<vmem>>[vector<16xi32>], vector<16xf32>,
          %parallel_loop3A_111 = arith.mulf %parallel_loop3A_109, %parallel_loop3A_110 : vector<16xf32>
          tpu.vector_store_idx %arg8[%parallel_loop3A_107], %parallel_loop3A_111 {add = true} : memref<16384xf32, #tpu.memory_space<vmem>>[vector<16xi32>], vector<16xf32>,
        } {sc.loop_unroll_factor = 16 : i64, sc.parallel_access}
      } else {
      }
      %mul3A_60 = arith.constant 3 : i32
      %mul3A_61 = arith.muli %mul3A_60, %scan3A_46 : i32
      %add3A_62 = arith.constant 1 : i32
      %add3A_63 = arith.addi %mul3A_61, %add3A_62 : i32
      %add3A_64 = arith.constant 2 : i32
      %add3A_65 = arith.addi %add3A_63, %add3A_64 : i32
      %lt3A_66 = arith.cmpi slt, %add3A_65, %select_n3A : i32
      %convert_element_type3A_67 = arith.extui %lt3A_66 : i1 to i32
      %cond3A_68 = arith.constant 0 : i32
      %cond3A_69 = arith.cmpi ne, %convert_element_type3A_67, %cond3A_68 : i32
      scf.if %cond3A_69 {
        %add3A_88 = arith.constant 2 : i32
        %add3A_89 = arith.addi %add3A_63, %add3A_88 : i32
        %mul3A_90 = arith.constant 32 : i32
        %mul3A_91 = arith.muli %add3A_89, %mul3A_90 : i32
        %add3A_92 = arith.addi %add3A, %mul3A_91 : i32
        %mul3A_93 = arith.constant 4096 : i32
        %mul3A_94 = arith.muli %add3A_92, %mul3A_93 : i32
        %dma_start3A_95 = tpu.memref_slice %arg3[%mul3A_94] : memref<2684354xi32, #tpu.memory_space<hbm>> -> memref<4096xi32, #tpu.memory_space<hbm>>
        %dma_start3A_96 = tpu.memref_slice %arg3[%mul3A_94] : memref<2684354xi32, #tpu.memory_space<hbm>> -> memref<4096xi32, #tpu.memory_space<hbm>>
        tpu.enqueue_dma source(%dma_start3A_96 : memref<4096xi32, #tpu.memory_space<hbm>>) target(%arg9 : memref<4096xi32, #tpu.memory_space<vmem>>) target_semaphore(%arg18 : memref<!tpu.dma_semaphore, #tpu.memory_space<semaphore_mem>>)
        %dma_start3A_97 = tpu.memref_slice %arg4[%mul3A_94] : memref<2684354xi32, #tpu.memory_space<hbm>> -> memref<4096xi32, #tpu.memory_space<hbm>>
        %dma_start3A_98 = tpu.memref_slice %arg4[%mul3A_94] : memref<2684354xi32, #tpu.memory_space<hbm>> -> memref<4096xi32, #tpu.memory_space<hbm>>
        tpu.enqueue_dma source(%dma_start3A_98 : memref<4096xi32, #tpu.memory_space<hbm>>) target(%arg12 : memref<4096xi32, #tpu.memory_space<vmem>>) target_semaphore(%arg18 : memref<!tpu.dma_semaphore, #tpu.memory_space<semaphore_mem>>)
        %dma_start3A_99 = tpu.memref_slice %arg5[%mul3A_94] : memref<2684354xf32, #tpu.memory_space<hbm>> -> memref<4096xf32, #tpu.memory_space<hbm>>
        %dma_start3A_100 = tpu.memref_slice %arg5[%mul3A_94] : memref<2684354xf32, #tpu.memory_space<hbm>> -> memref<4096xf32, #tpu.memory_space<hbm>>
        tpu.enqueue_dma source(%dma_start3A_100 : memref<4096xf32, #tpu.memory_space<hbm>>) target(%arg15 : memref<4096xf32, #tpu.memory_space<vmem>>) target_semaphore(%arg18 : memref<!tpu.dma_semaphore, #tpu.memory_space<semaphore_mem>>)
      } else {
      }
      %lt3A_70 = arith.cmpi slt, %add3A_63, %select_n3A : i32
      %convert_element_type3A_71 = arith.extui %lt3A_70 : i1 to i32
      %cond3A_72 = arith.constant 0 : i32
      %cond3A_73 = arith.cmpi ne, %convert_element_type3A_71, %cond3A_72 : i32
      scf.if %cond3A_73 {
        %mul3A_88 = arith.constant 32 : i32
        %mul3A_89 = arith.muli %add3A_63, %mul3A_88 : i32
        %add3A_90 = arith.addi %add3A, %mul3A_89 : i32
        %mul3A_91 = arith.constant 4096 : i32
        %mul3A_92 = arith.muli %add3A_90, %mul3A_91 : i32
        %dma_wait3A = tpu.memref_slice %arg3[%mul3A_92] : memref<2684354xi32, #tpu.memory_space<hbm>> -> memref<4096xi32, #tpu.memory_space<hbm>>
        %dma_wait3A_93 = tpu.memref_slice %arg3[%mul3A_92] : memref<2684354xi32, #tpu.memory_space<hbm>> -> memref<4096xi32, #tpu.memory_space<hbm>>
        tpu.wait_dma2 semaphore(%arg19 : memref<!tpu.dma_semaphore, #tpu.memory_space<semaphore_mem>>) src(%dma_wait3A_93 : memref<4096xi32, #tpu.memory_space<hbm>>) dst(%arg10 : memref<4096xi32, #tpu.memory_space<vmem>>)
        %dma_wait3A_94 = tpu.memref_slice %arg4[%mul3A_92] : memref<2684354xi32, #tpu.memory_space<hbm>> -> memref<4096xi32, #tpu.memory_space<hbm>>
        %dma_wait3A_95 = tpu.memref_slice %arg4[%mul3A_92] : memref<2684354xi32, #tpu.memory_space<hbm>> -> memref<4096xi32, #tpu.memory_space<hbm>>
        tpu.wait_dma2 semaphore(%arg19 : memref<!tpu.dma_semaphore, #tpu.memory_space<semaphore_mem>>) src(%dma_wait3A_95 : memref<4096xi32, #tpu.memory_space<hbm>>) dst(%arg13 : memref<4096xi32, #tpu.memory_space<vmem>>)
        %dma_wait3A_96 = tpu.memref_slice %arg5[%mul3A_92] : memref<2684354xf32, #tpu.memory_space<hbm>> -> memref<4096xf32, #tpu.memory_space<hbm>>
        %dma_wait3A_97 = tpu.memref_slice %arg5[%mul3A_92] : memref<2684354xf32, #tpu.memory_space<hbm>> -> memref<4096xf32, #tpu.memory_space<hbm>>
        tpu.wait_dma2 semaphore(%arg19 : memref<!tpu.dma_semaphore, #tpu.memory_space<semaphore_mem>>) src(%dma_wait3A_97 : memref<4096xf32, #tpu.memory_space<hbm>>) dst(%arg16 : memref<4096xf32, #tpu.memory_space<vmem>>)
        %parallel_loop3A_98 = arith.constant 0 : i32
        %parallel_loop3A_99 = arith.constant 256 : i32
        %parallel_loop3A_100 = arith.constant 1 : i32
        scf.for %parallel_loop3A_101 = %parallel_loop3A_98 to %parallel_loop3A_99 step %parallel_loop3A_100  : i32 {
          %parallel_loop3A_102 = arith.constant 16 : i32
          %parallel_loop3A_103 = arith.muli %parallel_loop3A_101, %parallel_loop3A_102 : i32
          %parallel_loop3A_104 = arith.index_cast %parallel_loop3A_103 : i32 to index
          %parallel_loop3A_105 = tpu.vector_load %arg13[%parallel_loop3A_104] {strides = array<i32>} : memref<4096xi32, #tpu.memory_space<vmem>>, vector<16xi32>,
          %parallel_loop3A_106 = arith.index_cast %parallel_loop3A_103 : i32 to index
          %parallel_loop3A_107 = tpu.vector_load %arg10[%parallel_loop3A_106] {strides = array<i32>} : memref<4096xi32, #tpu.memory_space<vmem>>, vector<16xi32>,
          %parallel_loop3A_108 = arith.index_cast %parallel_loop3A_103 : i32 to index
          %parallel_loop3A_109 = tpu.vector_load %arg16[%parallel_loop3A_108] {strides = array<i32>} : memref<4096xf32, #tpu.memory_space<vmem>>, vector<16xf32>,
          %parallel_loop3A_110 = tpu.vector_load_idx %arg7[%parallel_loop3A_105] : memref<16384xf32, #tpu.memory_space<vmem>>[vector<16xi32>], vector<16xf32>,
          %parallel_loop3A_111 = arith.mulf %parallel_loop3A_109, %parallel_loop3A_110 : vector<16xf32>
          tpu.vector_store_idx %arg8[%parallel_loop3A_107], %parallel_loop3A_111 {add = true} : memref<16384xf32, #tpu.memory_space<vmem>>[vector<16xi32>], vector<16xf32>,
        } {sc.loop_unroll_factor = 16 : i64, sc.parallel_access}
      } else {
      }
      %mul3A_74 = arith.constant 3 : i32
      %mul3A_75 = arith.muli %mul3A_74, %scan3A_46 : i32
      %add3A_76 = arith.constant 2 : i32
      %add3A_77 = arith.addi %mul3A_75, %add3A_76 : i32
      %add3A_78 = arith.constant 2 : i32
      %add3A_79 = arith.addi %add3A_77, %add3A_78 : i32
      %lt3A_80 = arith.cmpi slt, %add3A_79, %select_n3A : i32
      %convert_element_type3A_81 = arith.extui %lt3A_80 : i1 to i32
      %cond3A_82 = arith.constant 0 : i32
      %cond3A_83 = arith.cmpi ne, %convert_element_type3A_81, %cond3A_82 : i32
      scf.if %cond3A_83 {
        %add3A_88 = arith.constant 2 : i32
        %add3A_89 = arith.addi %add3A_77, %add3A_88 : i32
        %mul3A_90 = arith.constant 32 : i32
        %mul3A_91 = arith.muli %add3A_89, %mul3A_90 : i32
        %add3A_92 = arith.addi %add3A, %mul3A_91 : i32
        %mul3A_93 = arith.constant 4096 : i32
        %mul3A_94 = arith.muli %add3A_92, %mul3A_93 : i32
        %dma_start3A_95 = tpu.memref_slice %arg3[%mul3A_94] : memref<2684354xi32, #tpu.memory_space<hbm>> -> memref<4096xi32, #tpu.memory_space<hbm>>
        %dma_start3A_96 = tpu.memref_slice %arg3[%mul3A_94] : memref<2684354xi32, #tpu.memory_space<hbm>> -> memref<4096xi32, #tpu.memory_space<hbm>>
        tpu.enqueue_dma source(%dma_start3A_96 : memref<4096xi32, #tpu.memory_space<hbm>>) target(%arg10 : memref<4096xi32, #tpu.memory_space<vmem>>) target_semaphore(%arg19 : memref<!tpu.dma_semaphore, #tpu.memory_space<semaphore_mem>>)
        %dma_start3A_97 = tpu.memref_slice %arg4[%mul3A_94] : memref<2684354xi32, #tpu.memory_space<hbm>> -> memref<4096xi32, #tpu.memory_space<hbm>>
        %dma_start3A_98 = tpu.memref_slice %arg4[%mul3A_94] : memref<2684354xi32, #tpu.memory_space<hbm>> -> memref<4096xi32, #tpu.memory_space<hbm>>
        tpu.enqueue_dma source(%dma_start3A_98 : memref<4096xi32, #tpu.memory_space<hbm>>) target(%arg13 : memref<4096xi32, #tpu.memory_space<vmem>>) target_semaphore(%arg19 : memref<!tpu.dma_semaphore, #tpu.memory_space<semaphore_mem>>)
        %dma_start3A_99 = tpu.memref_slice %arg5[%mul3A_94] : memref<2684354xf32, #tpu.memory_space<hbm>> -> memref<4096xf32, #tpu.memory_space<hbm>>
        %dma_start3A_100 = tpu.memref_slice %arg5[%mul3A_94] : memref<2684354xf32, #tpu.memory_space<hbm>> -> memref<4096xf32, #tpu.memory_space<hbm>>
        tpu.enqueue_dma source(%dma_start3A_100 : memref<4096xf32, #tpu.memory_space<hbm>>) target(%arg16 : memref<4096xf32, #tpu.memory_space<vmem>>) target_semaphore(%arg19 : memref<!tpu.dma_semaphore, #tpu.memory_space<semaphore_mem>>)
      } else {
      }
      %lt3A_84 = arith.cmpi slt, %add3A_77, %select_n3A : i32
      %convert_element_type3A_85 = arith.extui %lt3A_84 : i1 to i32
      %cond3A_86 = arith.constant 0 : i32
      %cond3A_87 = arith.cmpi ne, %convert_element_type3A_85, %cond3A_86 : i32
      scf.if %cond3A_87 {
        %mul3A_88 = arith.constant 32 : i32
        %mul3A_89 = arith.muli %add3A_77, %mul3A_88 : i32
        %add3A_90 = arith.addi %add3A, %mul3A_89 : i32
        %mul3A_91 = arith.constant 4096 : i32
        %mul3A_92 = arith.muli %add3A_90, %mul3A_91 : i32
        %dma_wait3A = tpu.memref_slice %arg3[%mul3A_92] : memref<2684354xi32, #tpu.memory_space<hbm>> -> memref<4096xi32, #tpu.memory_space<hbm>>
        %dma_wait3A_93 = tpu.memref_slice %arg3[%mul3A_92] : memref<2684354xi32, #tpu.memory_space<hbm>> -> memref<4096xi32, #tpu.memory_space<hbm>>
        tpu.wait_dma2 semaphore(%arg20 : memref<!tpu.dma_semaphore, #tpu.memory_space<semaphore_mem>>) src(%dma_wait3A_93 : memref<4096xi32, #tpu.memory_space<hbm>>) dst(%arg11 : memref<4096xi32, #tpu.memory_space<vmem>>)
        %dma_wait3A_94 = tpu.memref_slice %arg4[%mul3A_92] : memref<2684354xi32, #tpu.memory_space<hbm>> -> memref<4096xi32, #tpu.memory_space<hbm>>
        %dma_wait3A_95 = tpu.memref_slice %arg4[%mul3A_92] : memref<2684354xi32, #tpu.memory_space<hbm>> -> memref<4096xi32, #tpu.memory_space<hbm>>
        tpu.wait_dma2 semaphore(%arg20 : memref<!tpu.dma_semaphore, #tpu.memory_space<semaphore_mem>>) src(%dma_wait3A_95 : memref<4096xi32, #tpu.memory_space<hbm>>) dst(%arg14 : memref<4096xi32, #tpu.memory_space<vmem>>)
        %dma_wait3A_96 = tpu.memref_slice %arg5[%mul3A_92] : memref<2684354xf32, #tpu.memory_space<hbm>> -> memref<4096xf32, #tpu.memory_space<hbm>>
        %dma_wait3A_97 = tpu.memref_slice %arg5[%mul3A_92] : memref<2684354xf32, #tpu.memory_space<hbm>> -> memref<4096xf32, #tpu.memory_space<hbm>>
        tpu.wait_dma2 semaphore(%arg20 : memref<!tpu.dma_semaphore, #tpu.memory_space<semaphore_mem>>) src(%dma_wait3A_97 : memref<4096xf32, #tpu.memory_space<hbm>>) dst(%arg17 : memref<4096xf32, #tpu.memory_space<vmem>>)
        %parallel_loop3A_98 = arith.constant 0 : i32
        %parallel_loop3A_99 = arith.constant 256 : i32
        %parallel_loop3A_100 = arith.constant 1 : i32
        scf.for %parallel_loop3A_101 = %parallel_loop3A_98 to %parallel_loop3A_99 step %parallel_loop3A_100  : i32 {
          %parallel_loop3A_102 = arith.constant 16 : i32
          %parallel_loop3A_103 = arith.muli %parallel_loop3A_101, %parallel_loop3A_102 : i32
          %parallel_loop3A_104 = arith.index_cast %parallel_loop3A_103 : i32 to index
          %parallel_loop3A_105 = tpu.vector_load %arg14[%parallel_loop3A_104] {strides = array<i32>} : memref<4096xi32, #tpu.memory_space<vmem>>, vector<16xi32>,
          %parallel_loop3A_106 = arith.index_cast %parallel_loop3A_103 : i32 to index
          %parallel_loop3A_107 = tpu.vector_load %arg11[%parallel_loop3A_106] {strides = array<i32>} : memref<4096xi32, #tpu.memory_space<vmem>>, vector<16xi32>,
          %parallel_loop3A_108 = arith.index_cast %parallel_loop3A_103 : i32 to index
          %parallel_loop3A_109 = tpu.vector_load %arg17[%parallel_loop3A_108] {strides = array<i32>} : memref<4096xf32, #tpu.memory_space<vmem>>, vector<16xf32>,
          %parallel_loop3A_110 = tpu.vector_load_idx %arg7[%parallel_loop3A_105] : memref<16384xf32, #tpu.memory_space<vmem>>[vector<16xi32>], vector<16xf32>,
          %parallel_loop3A_111 = arith.mulf %parallel_loop3A_109, %parallel_loop3A_110 : vector<16xf32>
          tpu.vector_store_idx %arg8[%parallel_loop3A_107], %parallel_loop3A_111 {add = true} : memref<16384xf32, #tpu.memory_space<vmem>>[vector<16xi32>], vector<16xf32>,
        } {sc.loop_unroll_factor = 16 : i64, sc.parallel_access}
      } else {
      }
    }
    %scan3A_41 = arith.constant 7 : i32
    %eq3A = arith.constant 31 : i32
    %eq3A_42 = arith.cmpi eq, %add3A, %eq3A : i32
    %convert_element_type3A_43 = arith.extui %eq3A_42 : i1 to i32
    %cond3A_44 = arith.constant 0 : i32
    %cond3A_45 = arith.cmpi ne, %convert_element_type3A_43, %cond3A_44 : i32
    scf.if %cond3A_45 {
      "tpu.region"() ({
        %run_scoped3A = tpu.sem_alloc : memref<!tpu.dma_semaphore, #tpu.memory_space<semaphore_mem>>
        %dma_start3A_57 = arith.constant 0 : i32
        %dma_start3A_58 = tpu.memref_slice %arg9[%dma_start3A_57] : memref<4096xi32, #tpu.memory_space<vmem>> -> memref<1474xi32, #tpu.memory_space<vmem>>
        %dma_start3A_59 = arith.constant 2682880 : i32
        %dma_start3A_60 = tpu.memref_slice %arg3[%dma_start3A_59] : memref<2684354xi32, #tpu.memory_space<hbm>> -> memref<1474xi32, #tpu.memory_space<hbm>>
        %dma_start3A_61 = arith.constant 0 : i32
        %dma_start3A_62 = tpu.memref_slice %arg9[%dma_start3A_61] : memref<4096xi32, #tpu.memory_space<vmem>> -> memref<1474xi32, #tpu.memory_space<vmem>>
        %dma_start3A_63 = arith.constant 2682880 : i32
        %dma_start3A_64 = tpu.memref_slice %arg3[%dma_start3A_63] : memref<2684354xi32, #tpu.memory_space<hbm>> -> memref<1474xi32, #tpu.memory_space<hbm>>
        tpu.enqueue_dma source(%dma_start3A_64 : memref<1474xi32, #tpu.memory_space<hbm>>) target(%dma_start3A_62 : memref<1474xi32, #tpu.memory_space<vmem>>) target_semaphore(%run_scoped3A : memref<!tpu.dma_semaphore, #tpu.memory_space<semaphore_mem>>)
        %dma_wait3A = arith.constant 0 : i32
        %dma_wait3A_65 = tpu.memref_slice %arg9[%dma_wait3A] : memref<4096xi32, #tpu.memory_space<vmem>> -> memref<1474xi32, #tpu.memory_space<vmem>>
        %dma_wait3A_66 = arith.constant 2682880 : i32
        %dma_wait3A_67 = tpu.memref_slice %arg3[%dma_wait3A_66] : memref<2684354xi32, #tpu.memory_space<hbm>> -> memref<1474xi32, #tpu.memory_space<hbm>>
        %dma_wait3A_68 = arith.constant 0 : i32
        %dma_wait3A_69 = tpu.memref_slice %arg9[%dma_wait3A_68] : memref<4096xi32, #tpu.memory_space<vmem>> -> memref<1474xi32, #tpu.memory_space<vmem>>
        %dma_wait3A_70 = arith.constant 2682880 : i32
        %dma_wait3A_71 = tpu.memref_slice %arg3[%dma_wait3A_70] : memref<2684354xi32, #tpu.memory_space<hbm>> -> memref<1474xi32, #tpu.memory_space<hbm>>
        tpu.wait_dma2 semaphore(%run_scoped3A : memref<!tpu.dma_semaphore, #tpu.memory_space<semaphore_mem>>) src(%dma_wait3A_71 : memref<1474xi32, #tpu.memory_space<hbm>>) dst(%dma_wait3A_69 : memref<1474xi32, #tpu.memory_space<vmem>>)
        tpu.yield
      }) : () -> ()
      "tpu.region"() ({
        %run_scoped3A = tpu.sem_alloc : memref<!tpu.dma_semaphore, #tpu.memory_space<semaphore_mem>>
        %dma_start3A_57 = arith.constant 0 : i32
        %dma_start3A_58 = tpu.memref_slice %arg12[%dma_start3A_57] : memref<4096xi32, #tpu.memory_space<vmem>> -> memref<1474xi32, #tpu.memory_space<vmem>>
        %dma_start3A_59 = arith.constant 2682880 : i32
        %dma_start3A_60 = tpu.memref_slice %arg4[%dma_start3A_59] : memref<2684354xi32, #tpu.memory_space<hbm>> -> memref<1474xi32, #tpu.memory_space<hbm>>
        %dma_start3A_61 = arith.constant 0 : i32
        %dma_start3A_62 = tpu.memref_slice %arg12[%dma_start3A_61] : memref<4096xi32, #tpu.memory_space<vmem>> -> memref<1474xi32, #tpu.memory_space<vmem>>
        %dma_start3A_63 = arith.constant 2682880 : i32
        %dma_start3A_64 = tpu.memref_slice %arg4[%dma_start3A_63] : memref<2684354xi32, #tpu.memory_space<hbm>> -> memref<1474xi32, #tpu.memory_space<hbm>>
        tpu.enqueue_dma source(%dma_start3A_64 : memref<1474xi32, #tpu.memory_space<hbm>>) target(%dma_start3A_62 : memref<1474xi32, #tpu.memory_space<vmem>>) target_semaphore(%run_scoped3A : memref<!tpu.dma_semaphore, #tpu.memory_space<semaphore_mem>>)
        %dma_wait3A = arith.constant 0 : i32
        %dma_wait3A_65 = tpu.memref_slice %arg12[%dma_wait3A] : memref<4096xi32, #tpu.memory_space<vmem>> -> memref<1474xi32, #tpu.memory_space<vmem>>
        %dma_wait3A_66 = arith.constant 2682880 : i32
        %dma_wait3A_67 = tpu.memref_slice %arg4[%dma_wait3A_66] : memref<2684354xi32, #tpu.memory_space<hbm>> -> memref<1474xi32, #tpu.memory_space<hbm>>
        %dma_wait3A_68 = arith.constant 0 : i32
        %dma_wait3A_69 = tpu.memref_slice %arg12[%dma_wait3A_68] : memref<4096xi32, #tpu.memory_space<vmem>> -> memref<1474xi32, #tpu.memory_space<vmem>>
        %dma_wait3A_70 = arith.constant 2682880 : i32
        %dma_wait3A_71 = tpu.memref_slice %arg4[%dma_wait3A_70] : memref<2684354xi32, #tpu.memory_space<hbm>> -> memref<1474xi32, #tpu.memory_space<hbm>>
        tpu.wait_dma2 semaphore(%run_scoped3A : memref<!tpu.dma_semaphore, #tpu.memory_space<semaphore_mem>>) src(%dma_wait3A_71 : memref<1474xi32, #tpu.memory_space<hbm>>) dst(%dma_wait3A_69 : memref<1474xi32, #tpu.memory_space<vmem>>)
        tpu.yield
      }) : () -> ()
      "tpu.region"() ({
        %run_scoped3A = tpu.sem_alloc : memref<!tpu.dma_semaphore, #tpu.memory_space<semaphore_mem>>
        %dma_start3A_57 = arith.constant 0 : i32
        %dma_start3A_58 = tpu.memref_slice %arg15[%dma_start3A_57] : memref<4096xf32, #tpu.memory_space<vmem>> -> memref<1474xf32, #tpu.memory_space<vmem>>
        %dma_start3A_59 = arith.constant 2682880 : i32
        %dma_start3A_60 = tpu.memref_slice %arg5[%dma_start3A_59] : memref<2684354xf32, #tpu.memory_space<hbm>> -> memref<1474xf32, #tpu.memory_space<hbm>>
        %dma_start3A_61 = arith.constant 0 : i32
        %dma_start3A_62 = tpu.memref_slice %arg15[%dma_start3A_61] : memref<4096xf32, #tpu.memory_space<vmem>> -> memref<1474xf32, #tpu.memory_space<vmem>>
        %dma_start3A_63 = arith.constant 2682880 : i32
        %dma_start3A_64 = tpu.memref_slice %arg5[%dma_start3A_63] : memref<2684354xf32, #tpu.memory_space<hbm>> -> memref<1474xf32, #tpu.memory_space<hbm>>
        tpu.enqueue_dma source(%dma_start3A_64 : memref<1474xf32, #tpu.memory_space<hbm>>) target(%dma_start3A_62 : memref<1474xf32, #tpu.memory_space<vmem>>) target_semaphore(%run_scoped3A : memref<!tpu.dma_semaphore, #tpu.memory_space<semaphore_mem>>)
        %dma_wait3A = arith.constant 0 : i32
        %dma_wait3A_65 = tpu.memref_slice %arg15[%dma_wait3A] : memref<4096xf32, #tpu.memory_space<vmem>> -> memref<1474xf32, #tpu.memory_space<vmem>>
        %dma_wait3A_66 = arith.constant 2682880 : i32
        %dma_wait3A_67 = tpu.memref_slice %arg5[%dma_wait3A_66] : memref<2684354xf32, #tpu.memory_space<hbm>> -> memref<1474xf32, #tpu.memory_space<hbm>>
        %dma_wait3A_68 = arith.constant 0 : i32
        %dma_wait3A_69 = tpu.memref_slice %arg15[%dma_wait3A_68] : memref<4096xf32, #tpu.memory_space<vmem>> -> memref<1474xf32, #tpu.memory_space<vmem>>
        %dma_wait3A_70 = arith.constant 2682880 : i32
        %dma_wait3A_71 = tpu.memref_slice %arg5[%dma_wait3A_70] : memref<2684354xf32, #tpu.memory_space<hbm>> -> memref<1474xf32, #tpu.memory_space<hbm>>
        tpu.wait_dma2 semaphore(%run_scoped3A : memref<!tpu.dma_semaphore, #tpu.memory_space<semaphore_mem>>) src(%dma_wait3A_71 : memref<1474xf32, #tpu.memory_space<hbm>>) dst(%dma_wait3A_69 : memref<1474xf32, #tpu.memory_space<vmem>>)
        tpu.yield
      }) : () -> ()
      %parallel_loop3A_46 = arith.constant 0 : i32
      %parallel_loop3A_47 = arith.constant 92 : i32
      %parallel_loop3A_48 = arith.constant 1 : i32
      scf.for %parallel_loop3A_57 = %parallel_loop3A_46 to %parallel_loop3A_47 step %parallel_loop3A_48  : i32 {
        %parallel_loop3A_58 = arith.constant 16 : i32
        %parallel_loop3A_59 = arith.muli %parallel_loop3A_57, %parallel_loop3A_58 : i32
        %parallel_loop3A_60 = arith.index_cast %parallel_loop3A_59 : i32 to index
        %parallel_loop3A_61 = tpu.vector_load %arg12[%parallel_loop3A_60] {strides = array<i32>} : memref<4096xi32, #tpu.memory_space<vmem>>, vector<16xi32>,
        %parallel_loop3A_62 = arith.index_cast %parallel_loop3A_59 : i32 to index
        %parallel_loop3A_63 = tpu.vector_load %arg9[%parallel_loop3A_62] {strides = array<i32>} : memref<4096xi32, #tpu.memory_space<vmem>>, vector<16xi32>,
        %parallel_loop3A_64 = arith.index_cast %parallel_loop3A_59 : i32 to index
        %parallel_loop3A_65 = tpu.vector_load %arg15[%parallel_loop3A_64] {strides = array<i32>} : memref<4096xf32, #tpu.memory_space<vmem>>, vector<16xf32>,
        %parallel_loop3A_66 = tpu.vector_load_idx %arg7[%parallel_loop3A_61] : memref<16384xf32, #tpu.memory_space<vmem>>[vector<16xi32>], vector<16xf32>,
        %parallel_loop3A_67 = arith.mulf %parallel_loop3A_65, %parallel_loop3A_66 : vector<16xf32>
        tpu.vector_store_idx %arg8[%parallel_loop3A_63], %parallel_loop3A_67 {add = true} : memref<16384xf32, #tpu.memory_space<vmem>>[vector<16xi32>], vector<16xf32>,
      } {sc.loop_unroll_factor = 1 : i64, sc.parallel_access}
      %iota3A = tpu.iota {dimensions = array<i32: 0>} : vector<16xi32>
      %lt3A = arith.constant 2 : i32
      %lt3A_49 = vector.broadcast %lt3A : i32 to vector<16xi32>
      %lt3A_50 = arith.cmpi slt, %iota3A, %lt3A_49 : vector<16xi32>
      %get3A = arith.constant 1472 : index
      %get3A_51 = tpu.vector_load %arg12[%get3A] {strides = array<i32>} : memref<4096xi32, #tpu.memory_space<vmem>>, vector<16xi32>,
      %get3A_52 = arith.constant 1472 : index
      %get3A_53 = tpu.vector_load %arg9[%get3A_52] {strides = array<i32>} : memref<4096xi32, #tpu.memory_space<vmem>>, vector<16xi32>,
      %get3A_54 = arith.constant 1472 : index
      %get3A_55 = tpu.vector_load %arg15[%get3A_54] {strides = array<i32>} : memref<4096xf32, #tpu.memory_space<vmem>>, vector<16xf32>,
      %gather3A = tpu.vector_load_idx %arg7[%get3A_51] masked %lt3A_50 : memref<16384xf32, #tpu.memory_space<vmem>>[vector<16xi32>], vector<16xf32>, vector<16xi1>
      %mul3A_56 = arith.mulf %get3A_55, %gather3A : vector<16xf32>
      tpu.vector_store_idx %arg8[%get3A_53], %mul3A_56 masked %lt3A_50 {add = true} : memref<16384xf32, #tpu.memory_space<vmem>>[vector<16xi32>], vector<16xf32>, vector<16xi1>
    } else {
    }
    "tpu.region"() ({
      %run_scoped3A = tpu.sem_alloc : memref<!tpu.dma_semaphore, #tpu.memory_space<semaphore_mem>>
      %dma_start3A_46 = arith.constant 0 : i32
      %dma_start3A_47 = tpu.memref_slice %arg6[%add3A, %dma_start3A_46] : memref<32x16384xf32, #tpu.memory_space<hbm>> -> memref<1x16384xf32, #tpu.memory_space<hbm>>
      %dma_start3A_48 = tpu.memref_squeeze %dma_start3A_47 : memref<1x16384xf32, #tpu.memory_space<hbm>> -> memref<16384xf32, #tpu.memory_space<hbm>>
      %dma_start3A_49 = arith.constant 0 : i32
      %dma_start3A_50 = tpu.memref_slice %arg6[%add3A, %dma_start3A_49] : memref<32x16384xf32, #tpu.memory_space<hbm>> -> memref<1x16384xf32, #tpu.memory_space<hbm>>
      %dma_start3A_51 = tpu.memref_squeeze %dma_start3A_50 : memref<1x16384xf32, #tpu.memory_space<hbm>> -> memref<16384xf32, #tpu.memory_space<hbm>>
      tpu.enqueue_dma source(%arg8 : memref<16384xf32, #tpu.memory_space<vmem>>) target(%dma_start3A_51 : memref<16384xf32, #tpu.memory_space<hbm>>) target_semaphore(%run_scoped3A : memref<!tpu.dma_semaphore, #tpu.memory_space<semaphore_mem>>)
      %dma_wait3A = arith.constant 0 : i32
      %dma_wait3A_52 = tpu.memref_slice %arg6[%add3A, %dma_wait3A] : memref<32x16384xf32, #tpu.memory_space<hbm>> -> memref<1x16384xf32, #tpu.memory_space<hbm>>
      %dma_wait3A_53 = tpu.memref_squeeze %dma_wait3A_52 : memref<1x16384xf32, #tpu.memory_space<hbm>> -> memref<16384xf32, #tpu.memory_space<hbm>>
      %dma_wait3A_54 = arith.constant 0 : i32
      %dma_wait3A_55 = tpu.memref_slice %arg6[%add3A, %dma_wait3A_54] : memref<32x16384xf32, #tpu.memory_space<hbm>> -> memref<1x16384xf32, #tpu.memory_space<hbm>>
      %dma_wait3A_56 = tpu.memref_squeeze %dma_wait3A_55 : memref<1x16384xf32, #tpu.memory_space<hbm>> -> memref<16384xf32, #tpu.memory_space<hbm>>
      tpu.wait_dma2 semaphore(%run_scoped3A : memref<!tpu.dma_semaphore, #tpu.memory_space<semaphore_mem>>) src(%arg8 : memref<16384xf32, #tpu.memory_space<vmem>>) dst(%dma_wait3A_56 : memref<16384xf32, #tpu.memory_space<hbm>>)
      tpu.yield
    }) : () -> ()
    return
  }
}

module attributes {stable_mosaic.version = 14 : i64} {
  func.func @_finish_body(%arg0: memref<32x128x128xf32, #tpu.memory_space<vmem>>, %arg1: memref<128x128xf32, #tpu.memory_space<vmem>>, %arg2: memref<128x128xf32, #tpu.memory_space<vmem>>, %arg3: memref<128x128xf32, #tpu.memory_space<vmem>>) attributes {dimension_semantics = [], scalar_prefetch = 0 : i64, scratch_operands = 0 : i64, tpu.core_type = #tpu.core_type<tc>} {
    %get3A = arith.constant 0 : index
    %get3A_0 = arith.constant 0 : index
    %get3A_1 = arith.constant 0 : index
    %get3A_2 = vector.load %arg0[%get3A, %get3A_0, %get3A_1] : memref<32x128x128xf32, #tpu.memory_space<vmem>>, vector<32x128x128xf32>
    %reduce_sum3A = arith.constant dense<0.000000e+00> : vector<128x128xf32>
    %reduce_sum3A_3 = vector.multi_reduction <add>, %get3A_2, %reduce_sum3A [0] : vector<32x128x128xf32> to vector<128x128xf32>
    %get3A_4 = arith.constant 0 : index
    %get3A_5 = arith.constant 0 : index
    %get3A_6 = vector.load %arg1[%get3A_4, %get3A_5] : memref<128x128xf32, #tpu.memory_space<vmem>>, vector<128x128xf32>
    %mul3A = arith.constant 4.000000e-01 : f32
    %mul3A_7 = vector.broadcast %mul3A : f32 to vector<128x128xf32>
    %mul3A_8 = arith.mulf %mul3A_7, %get3A_6 : vector<128x128xf32>
    %get3A_9 = arith.constant 0 : index
    %get3A_10 = arith.constant 0 : index
    %get3A_11 = vector.load %arg2[%get3A_9, %get3A_10] : memref<128x128xf32, #tpu.memory_space<vmem>>, vector<128x128xf32>
    %add3A = arith.addf %reduce_sum3A_3, %get3A_11 : vector<128x128xf32>
    %add3A_12 = arith.constant 1.600000e+00 : f32
    %add3A_13 = vector.broadcast %add3A_12 : f32 to vector<128x128xf32>
    %add3A_14 = arith.addf %add3A, %add3A_13 : vector<128x128xf32>
    %tanh3A = math.tanh %add3A_14 : vector<128x128xf32>
    %mul3A_15 = arith.constant 6.000000e-01 : f32
    %mul3A_16 = vector.broadcast %mul3A_15 : f32 to vector<128x128xf32>
    %mul3A_17 = arith.mulf %mul3A_16, %tanh3A : vector<128x128xf32>
    %add3A_18 = arith.addf %mul3A_8, %mul3A_17 : vector<128x128xf32>
    %swap3A = arith.constant 0 : index
    %swap3A_19 = arith.constant 0 : index
    %swap3A_20 = vector.load %arg3[%swap3A, %swap3A_19] : memref<128x128xf32, #tpu.memory_space<vmem>>, vector<128x128xf32>
    tpu.vector_store %arg3[%swap3A, %swap3A_19], %add3A_18 {strides = array<i32>} : memref<128x128xf32, #tpu.memory_space<vmem>>, vector<128x128xf32>,
    return
  }
}

</mosaic_0001>

<sc_bundles>
// kernel: kernel.4.cloned.1.call-start
scs
__scs_entry_jumppad:
0x0: {  	(pc) =	sbr.rel $0x88, $3  }
0x1: {  	(tag) =	ssettag $0x0;
	lr =	simm.s32 $0x1  }
0x2: {  	[smem:$0x3F9C] =	sst lr;
	_ =	strace $0xD0000000  }
0x3: {  	_ = 	snop  }
0x4: {  	_ = 	snop  }
0x5: {  	_ = 	snop  }
0x6: {  	_ = 	snop  }
0x7: {  	_ = 	snop  }
__scs_overlays_trampoline_lowered:
0x8: {  	[smem:$0x3FAB] =	sst s0  }
0x9: {  	[smem:$0x3FAC] =	sst s1  }
0xa: {  	[smem:$0x3FAD] =	sst s2  }
0xb: {  	[smem:$0x3FAE] =	sst s3  }
0xc: {  	[smem:$0x3FAF] =	sst s4  }
0xd: {  	[smem:$0x3FB0] =	sst s5  }
0xe: {  	[smem:$0x3FB1] =	sst s6  }
0xf: {  	[smem:$0x3FB2] =	sst s7  }
0x10: {  	[smem:$0x3FB3] =	sst s8  }
0x11: {  	[smem:$0x3FB4] =	sst s9;
	s0 =	simm.s32 @!p0 $0x0  }
0x12: {  	s1 =	sld [smem:$0x3F9A];
	s0 =	simm.s32 @p0 $0x1  }
0x13: {  	[smem:$0x3FB5] =	sst s0;
	s0 =	simm.s32 @!p1 $0x0  }
0x14: {  	s2 =	sld [smem:$0x3F99];
	s0 =	simm.s32 @p1 $0x1  }
0x15: {  	[smem:$0x3FB6] =	sst s0;
	s0 =	simm.s32 @!p2 $0x0  }
0x16: {  	s3 =	sld [smem:$0x3FDB];
	s0 =	simm.s32 @p2 $0x1  }
0x17: {  	s4 =	simm.s32 $0x1BF5;
	[smem:$0x3FB8] =	sst s0  }
0x18: {  	s0 =	sld [smem:$0x3F9B];
	_ =	swait.ge [sflag:s4], $0x0  }
0x19: {  	s7 =	sld [smem:$0x3F9C]  }
0x1a: {  	s8 =	sadd.s32 $0xFFFFE003, lr  }
0x1b: {  	s9 =	sadd.s32 $0xFFFFFEF7, lr;
	s5 =	simm.s32 $0xFFFFFFFF;
	p2 =	slt.u32 s8, $0xFFFFF086  }
0x1c: {  	p1 =	slt.u32 s9, $0xF7A;
	s5 =	simm.s32 @!p2 $0x0  }
0x1d: {  	s5 =	simm.s32 @p1 $0x1;
	p0 =	seq.s32 s7, s2  }
0x1e: {  	s7 =	smul.u32 @!p0 $0xF7A, s2;
	p2 =	seq.s32 @!p0 s5, $0x0  }
0x1f: {  	s9 =	smul.u32 $0xF7A, s1;
	s8 =	simm.s32 @!p0 $0x1BF5;
	p2 =	por !p2, p0  }
0x20: {  	[sflag:s8] =	ssyncset.s32 @!p0 $0xFFFFF086;
	s6 =	sadd.s32 @!p0 s3, s7;
	s7 =	simm.s32 @!p0 $0x108  }
0x21: {  	s3 =	sadd.s32 s3, s9;
	s6 =	sadd.s32 @!p0 $0x88, s6;
	s7 =	simm.s32 @p2 $0x1082  }
0x22: {  	[simem:s7], [sflag:s8] =	dma.local @!p0 [hbm:s6], $0xF7A  }
0x23: {  	s9 =	sor.u32 $0xD0000000, s2;
	s6 =	simm.s32 $0x108;
	_ =	swait.ge @!p0 [sflag:s8], $0x0  }
0x24: {  	s3 =	sadd.s32 $0x88, s3;
	s6 =	simm.s32 @!p1 $0x1082;
	[sflag:s4] =	ssyncset.s32 $0xFFFFF086  }
0x25: {  	[simem:s6], [sflag:s4] =	dma.local [hbm:s3], $0xF7A  }
0x26: {  	[smem:$0x3F9C] =	sst s1;
	(tag) =	ssettag s2;
	_ =	strace s9  }
0x27: {  	s1 =	sld [smem:$0x3FAC]  }
0x28: {  	s2 =	sld [smem:$0x3FAD]  }
0x29: {  	s4 =	sld [smem:$0x3FAF]  }
0x2a: {  	p0 =	seq.s32 s5, $0x0;
	s5 =	sld [smem:$0x3FB0]  }
0x2b: {  	s6 =	sld [smem:$0x3FB1]  }
0x2c: {  	s7 =	sld [smem:$0x3FB2]  }
0x2d: {  	s3 =	simm.s32 $0x108;
	s8 =	sld [smem:$0x3FB3]  }
0x2e: {  	s3 =	simm.s32 @!p0 $0x1082;
	s9 =	sld [smem:$0x3FB4]  }
0x2f: {  	lr =	sadd.s32 s0, s3;
	s0 =	sld [smem:$0x3FAB]  }
0x30: {  	s3 =	sld [smem:$0x3FAE]  }
0x31: {  	[smem:$0x3FB7] =	sst s10  }
0x32: {  	s10 =	sld [smem:$0x3FB5];
	_ =	sdelay $0x3  }
0x33: {  	p0 =	seq.s32 s10, $0x1;
	s10 =	sld [smem:$0x3FB7];
	_ =	sdelay $0x3  }
0x34: {  	[smem:$0x3FB7] =	sst s10  }
0x35: {  	s10 =	sld [smem:$0x3FB6];
	_ =	sdelay $0x3  }
0x36: {  	p1 =	seq.s32 s10, $0x1;
	s10 =	sld [smem:$0x3FB7];
	_ =	sdelay $0x3  }
0x37: {  	[smem:$0x3FB7] =	sst s10  }
0x38: {  	s10 =	sld [smem:$0x3FB8]  }
0x39: {  	_ = 	snop;
	(pc) =	sbr.ind lr, $3  }
0x3a: {  	_ = 	snop  }
0x3b: {  	_ = 	snop  }
0x3c: {  	p2 =	seq.s32 s10, $0x1;
	s10 =	sld [smem:$0x3FB7]  }
0x3d: {  	_ =	shalt  }
0x3e: {  	_ =	shalt  }
0x3f: {  	_ =	shalt  }
0x40: {  	_ =	shalt  }
0x41: {  	_ =	shalt  }
0x42: {  	_ =	shalt  }
0x43: {  	_ =	shalt  }
0x44: {  	_ =	shalt  }
0x45: {  	_ =	shalt  }
0x46: {  	_ =	shalt  }
0x47: {  	_ =	shalt  }
0x48: {  	_ =	shalt  }
0x49: {  	_ =	shalt  }
0x4a: {  	_ =	shalt  }
0x4b: {  	_ =	shalt  }
0x4c: {  	_ =	shalt  }
0x4d: {  	_ =	shalt  }
0x4e: {  	_ =	shalt  }
0x4f: {  	_ =	shalt  }
0x50: {  	_ =	shalt  }
0x51: {  	_ =	shalt  }
0x52: {  	_ =	shalt  }
0x53: {  	_ =	shalt  }
0x54: {  	_ =	shalt  }
0x55: {  	_ =	shalt  }
0x56: {  	_ =	shalt  }
0x57: {  	_ =	shalt  }
0x58: {  	_ =	shalt  }
0x59: {  	_ =	shalt  }
0x5a: {  	_ =	shalt  }
0x5b: {  	_ =	shalt  }
0x5c: {  	_ =	shalt  }
0x5d: {  	_ =	shalt  }
0x5e: {  	_ =	shalt  }
0x5f: {  	_ =	shalt  }
0x60: {  	_ =	shalt  }
0x61: {  	_ =	shalt  }
0x62: {  	_ =	shalt  }
0x63: {  	_ =	shalt  }
0x64: {  	_ =	shalt  }
0x65: {  	_ =	shalt  }
0x66: {  	_ =	shalt  }
0x67: {  	_ =	shalt  }
0x68: {  	_ =	shalt  }
0x69: {  	_ =	shalt  }
0x6a: {  	_ =	shalt  }
0x6b: {  	_ =	shalt  }
0x6c: {  	_ =	shalt  }
0x6d: {  	_ =	shalt  }
0x6e: {  	_ =	shalt  }
0x6f: {  	_ =	shalt  }
0x70: {  	_ =	shalt  }
0x71: {  	_ =	shalt  }
0x72: {  	_ =	shalt  }
0x73: {  	_ =	shalt  }
0x74: {  	_ =	shalt  }
0x75: {  	_ =	shalt  }
0x76: {  	_ =	shalt  }
0x77: {  	_ =	shalt  }
0x78: {  	_ =	shalt  }
0x79: {  	_ =	shalt  }
0x7a: {  	_ =	shalt  }
0x7b: {  	_ =	shalt  }
0x7c: {  	_ =	shalt  }
0x7d: {  	_ =	shalt  }
0x7e: {  	_ =	shalt  }
0x7f: {  	_ =	shalt  }
0x80: {  	_ =	shalt  }
0x81: {  	_ =	shalt  }
0x82: {  	_ =	shalt  }
0x83: {  	_ =	shalt  }
0x84: {  	_ =	shalt  }
0x85: {  	_ =	shalt  }
0x86: {  	_ =	shalt  }
0x87: {  	_ =	shalt  }
.Lfunc_end0:
.L_simem_size_0:
called_computation_lowered:
.L_overlay_start_0:
0x88: {  	s2 =	sld [smem:$0x3FD9]  }
0x89: {  	s3 =	sld [smem:$0x3FFE];
	_ =	sdelay $0x1  }
0x8a: {  	s1 =	srdreg.scid  }
0x8b: {  	s0 =	sand.u32 $0x1, s1  }
0x8c: {  	s17 =	sshll.u32 s0, $0xA;
	s2 =	sadd.s32 s3, s2  }
0x8d: {  	s2 =	sadd.s32 s2, s17  }
0x8e: {  	[smem:$0x3FC3] =	sst s2  }
0x8f: {  	_ = 	snop  }
0x90: {  	s2 =	sld [smem:$0x3FC8]  }
0x91: {  	s18 =	sld [smem:$0x3FC7]  }
0x92: {  	s4 =	sld [smem:$0x3FC6]  }
0x93: {  	s5 =	sld [smem:$0x3FC5];
	(tm) =	ssettm $0x1  }
0x94: {  	s6 =	sld [smem:$0x3FFB];
	_ =	sdelay $0x3  }
0x95: {  	_ =	strace s6  }
0x96: {  	s6 =	sld [smem:$0x3FFC];
	_ =	sdelay $0x3  }
0x97: {  	_ =	strace s6  }
0x98: {  	s6 =	sld [smem:$0x3FFD];
	_ =	sdelay $0x3  }
0x99: {  	_ =	strace s6  }
0x9a: {  	_ =	strace $0x8FFFFFFF  }
0x9b: {  	s19 =	sld [smem:$0x3FDB];
	_ =	sdelay $0x1  }
0x9c: {  	s7 =	simm.s32 $_scs_section_size  }
0x9d: {  	s8 =	simm.s32 $_size__tile_overlayer_lowered;
	s9 =	simm.s32 $_tile_overlayer_lowered  }
0x9e: {  	s22 =	simm.s32 $0x1BFF;
	s21 =	sshll.u32 s9, $0x1;
	s6 =	sadd.s32 s7, s19  }
0x9f: {  	s10 =	simm.s32 $0x0;
	s20 =	sshll.u32 s8, $0x1;
	s8 =	sadd.s32 s21, s6  }
0xa0: {  	[timem:s10], [sflag:s22] =	dma.local [hbm:s8], s20  }
0xa1: {  	_ =	swait.ge [sflag:s22], s20  }
0xa2: {  	s7 =	ssub.s32 $0x0, s20;
	[sflag:s22] =	ssyncset.done $0x0  }
0xa3: {  	[sflag:s22] =	ssyncadd.s32 s7;
	_ =	sdelay $0x1  }
0xa4: {  	s23 =	simm.s32 $0x1B8B  }
0xa5: {  	_ =	swait.ge [sflag:s23], $0x1  }
0xa6: {  	[sflag:s23] =	ssyncset.done $0x0  }
0xa7: {  	s25 =	simm.s32 $0x1B8E;
	s24 =	sld [smem:$0x3FFE];
	[sflag:s23] =	ssyncadd.s32 $0xFFFFFFFF  }
0xa8: {  	s26 =	simm.s32 $execute0_lowered;
	[smem:$0x3FD2] =	sst s25  }
0xa9: {  	s8 =	sshll.u32 s26, $0x1;
	_ =	strace $0x80000046;
	[dreg:$0x1] =	wrdreg $0xFFFFFFFF  }
0xaa: {  	s28 =	simm.s32 $_size_execute0_lowered;
	s6 =	sadd.s32 s6, s8;
	[dreg:$0x0] =	wrdreg $0x0  }
0xab: {  	s8 =	sshll.u32 s28, $0x1;
	[dreg:$0x2] =	wrdreg s6  }
0xac: {  	[dreg:$0x3] =	wrdreg s8  }
0xad: {  	[dreg:$0x4] =	wrdreg $0xC0  }
0xae: {  	_ =	task [dreg:s10], $0x5FFFF  }
0xaf: {  	[dreg:$0x1] =	wrdreg $0xFFFFFFFF  }
0xb0: {  	[dreg:$0x0] =	wrdreg $0x60  }
0xb1: {  	[dreg:$0x2] =	wrdreg s2  }
0xb2: {  	[dreg:$0x3] =	wrdreg s18  }
0xb3: {  	[dreg:$0x4] =	wrdreg s4  }
0xb4: {  	[dreg:$0x5] =	wrdreg s5  }
0xb5: {  	[dreg:$0x6] =	wrdreg s24  }
0xb6: {  	[dreg:$0x7] =	wrdreg $0x9  }
0xb7: {  	_ =	task.clear_ibuf [dreg:s10], $0x8FFFF;
	_ =	strace $0x90000046  }
0xb8: {  	s29 =	simm.s32 $0x9;
	_ =	strace $0x80000048  }
0xb9: {  	_ =	swait.ge [sflag:s29], $0x1  }
0xba: {  	[sflag:s29] =	ssyncadd.s32 $0xFFFFFFFF  }
0xbb: {  	_ =	strace $0x90000048  }
0xbc: {  	_ =	sfence  }
0xbd: {  	s30 =	sld [smem:$0x0];
	_ =	sdelay $0x2  }
0xbe: {  	s31 =	sshll.u32 s1, $0xD;
	s1 =	sshrl.u32 s1, $0x2  }
0xbf: {  	s3 =	sand.u32 $0x4000, s31;
	s1 =	sadd.s32 s1, s30  }
0xc0: {  	s0 =	sor.u32 s3, s0;
	s1 =	sshll.u32 s1, $0x11  }
0xc1: {  	s0 =	sor.u32 s1, s0  }
0xc2: {  	s0 =	sadd.s32 $0x8F2B, s0  }
0xc3: {  	[sflag:s0] =	ssyncadd.remote.s32 $0x1  }
0xc4: {  	_ =	sfence.sel $0xFFFF  }
0xc5: {  	[dreg:$0x0] =	wrdreg $0xFFFFFFFF;
	(pc) =	sbr.abs _section_cstart, $3  }
0xc6: {  	[dreg:$0x1] =	wrdreg $0xFFFFFFFF  }
0xc7: {  	_ =	task.clear_ibuf [dreg:s10], $0x2FFFF;
	_ =	strace $0x9FFFFFFF  }
0xc8: {  	(tm) =	ssettm $0x7FFFFFFF  }
0xc9: {  	_ =	shalt  }
tec
execute0_lowered:
.L_overlay_start_1:
0x0: {  	(tag) =	ssettag $0x1  }
0x1: {  	s2 =	rddreg [dreg:$0x1]  }
0x2: {  	s3 =	rddreg [dreg:$0x2]  }
0x3: {  	s4 =	rddreg [dreg:$0x3]  }
0x4: {  	s0 =	rddreg [dreg:$0x4];
	s6 =	simm.s32 $0x0;
	s7 =	stileid.u32  }
0x5: {  	s1 =	srdreg.scid;
	s20 =	simm.s32 $0x8000;
	s21 =	simm.s32 $0xB000  }
0x6: {  	s22 =	simm.s32 $0xE000;
	s28 =	simm.s32 $0x1;
	s29 =	simm.s32 $0x4000  }
0x7: {  	s30 =	simm.s32 $0x2;
	s31 =	simm.s32 $0x3;
	[smem:$0x7FF] =	sst s6  }
0x8: {  	s5 =	sshll.u32 s7, $0xC;
	s1 =	sand.u32 $0x1, s1;
	s7 =	sshll.u32 s7, $0x1  }
0x9: {  	s16 =	sadd.s32 $0x51E00, s2;
	s17 =	sadd.s32 $0x51E00, s4;
	_ =	strace $0x80000047  }
0xa: {  	s5 =	sand.u32 $0xC000, s5;
	s8 =	ssub.s32 $0x2, s1;
	s1 =	sor.u32 s1, s7  }
0xb: {  	[dreg:$0x6] =	wrdreg s16;
	s16 =	sadd.s32 $0x51E00, s3;
	s0 =	sadd.s32 s5, s0  }
0xc: {  	s26 =	sshrl.u32 s8, $0x1;
	s7 =	ssub.s32 $0x2AE, s1;
	s15 =	sshll.u32 s1, $0x4  }
0xd: {  	p0 =	sne.s32 s1, $0x1F;
	s5 =	ssub.s32 s8, s26;
	s7 =	sshrl.u32 s7, $0x5  }
.Ltmp0:
0xe: {  	s8 =	sshll.u32 s1, $0x9;
	s15 =	sand.u32 $0x70, s15;
	(pc) =	sbr.rel .LBB2_1-.Ltmp0, $4  }
0xf: {  	s26 =	simm.s32 $0x4;
	s1 =	simm.s32 $0x0;
	s9 =	sadd.s32 s2, s8  }
0x10: {  	s10 =	sadd.s32 s3, s8;
	s14 =	sor.u32 $0x4000, s8;
	s11 =	sadd.s32 s4, s8  }
0x11: {  	s0 =	sadd.s32 s15, s0;
	s19 =	smax.u32 s5, $0x1;
	s12 =	sadd.s32 s2, s14  }
0x12: {  	v0 =	vimm.f32 $0.0e+00;
	s13 =	sadd.s32 s3, s14;
	s14 =	sadd.s32 s4, s14;
	s18 =	sadd.s32 $0x800, s0  }
.LBB2_16:
0x13: {  	s1 =	sadd.s32 $0x1, s1  }
0x14: {  	p1 =	sne.s32 s1, s19  }
.Ltmp1:
0x15: {  	s0 =	simm.s32 $0x80;
	s5 =	simm.s32 $0x400;
	(pc) =	sbr.rel @!p1 .LBB2_17-.Ltmp1, $4  }
0x16: {  	[hbm4b:s18+s0] =	stream.strided.scatter [tilespmem:s29], [sflag:$0x4], $0x4000, s5, s0, $0x38;
	[tilespmem:$0x11000] =	vst v63  }
0x17: {  	_ =	swait.ge [sflag:s26], $0x4000  }
0x18: {  	[sflag:s26] =	ssyncset.done $0x0  }
0x19: {  	[sflag:s26] =	ssyncadd.s32 $0xFFFFC000  }
.LBB2_1:
0x1a: {  	[tilespmem:s20], [sflag:$0x1] =	stream.linear.gather [hbm4b:s9+s6], $0x1000, $0x38;
	[tilespmem:$0x11000] =	vst v63  }
0x1b: {  	_ = 	snop  }
0x1c: {  	[tilespmem:s21], [sflag:$0x1] =	stream.linear.gather [hbm4b:s10+s6], $0x1000, $0x38;
	[tilespmem:$0x11000] =	vst v63  }
0x1d: {  	_ = 	snop  }
0x1e: {  	[tilespmem:s22], [sflag:$0x1] =	stream.linear.gather [hbm4b:s11+s6], $0x1000, $0x38;
	[tilespmem:$0x11000] =	vst v63  }
0x1f: {  	s0 =	simm.s32 $0x9000  }
0x20: {  	[tilespmem:s0], [sflag:$0x2] =	stream.linear.gather [hbm4b:s12+s6], $0x1000, $0x38;
	[tilespmem:$0x11000] =	vst v63  }
0x21: {  	s23 =	simm.s32 $0xC000  }
0x22: {  	[tilespmem:s23], [sflag:$0x2] =	stream.linear.gather [hbm4b:s13+s6], $0x1000, $0x38;
	[tilespmem:$0x11000] =	vst v63  }
0x23: {  	s24 =	simm.s32 $0xF000  }
0x24: {  	[tilespmem:s24], [sflag:$0x2] =	stream.linear.gather [hbm4b:s14+s6], $0x1000, $0x38;
	[tilespmem:$0x11000] =	vst v63  }
0x25: {  	s25 =	rddreg [dreg:$0x0]  }
0x26: {  	[tilespmem:s6], [sflag:$0x4] =	stream.linear.gather [hbm4b:s25+s6], $0x4000, $0x38;
	[tilespmem:$0x11000] =	vst v63  }
0x27: {  	_ =	swait.ge [sflag:s26], $0x4000  }
0x28: {  	[sflag:s26] =	ssyncset.done $0x0  }
0x29: {  	s0 =	simm.s32 $0x4080;
	[sflag:s26] =	ssyncadd.s32 $0xFFFFC000  }
0x2a: {  	[tilespmem:s0+$0xFFFFFF80] =	vst v0  }
0x2b: {  	[tilespmem:s0+$0x70] =	vst v0  }
0x2c: {  	[tilespmem:s0+$0x60] =	vst v0  }
0x2d: {  	[tilespmem:s0+$0x50] =	vst v0  }
0x2e: {  	[tilespmem:s0+$0x40] =	vst v0  }
0x2f: {  	[tilespmem:s0+$0x30] =	vst v0  }
0x30: {  	[tilespmem:s0+$0x20] =	vst v0  }
0x31: {  	[tilespmem:s0+$0x10] =	vst v0  }
0x32: {  	[tilespmem:s0+$0x0] =	vst v0  }
0x33: {  	[tilespmem:s0+$0xFFFFFFF0] =	vst v0  }
0x34: {  	[tilespmem:s0+$0xFFFFFFE0] =	vst v0  }
0x35: {  	[tilespmem:s0+$0xFFFFFFD0] =	vst v0  }
0x36: {  	[tilespmem:s0+$0xFFFFFFC0] =	vst v0  }
0x37: {  	[tilespmem:s0+$0xFFFFFFB0] =	vst v0  }
0x38: {  	s5 =	simm.s32 $0x0;
	[tilespmem:s0+$0xFFFFFFA0] =	vst v0  }
.LBB2_2:
0x39: {  	s5 =	sadd.s32 $0x10, s5;
	[tilespmem:s0+$0xFFFFFF90] =	vst v0;
	s0 =	sadd.s32 $0x100, s0  }
0x3a: {  	[tilespmem:s0+$0xFFFFFF80] =	vst v0;
	p1 =	slt.u32 s5, $0x3F0  }
0x3b: {  	[tilespmem:s0+$0x70] =	vst v0  }
0x3c: {  	[tilespmem:s0+$0x60] =	vst v0  }
0x3d: {  	[tilespmem:s0+$0x50] =	vst v0  }
0x3e: {  	[tilespmem:s0+$0x40] =	vst v0  }
0x3f: {  	[tilespmem:s0+$0x30] =	vst v0  }
0x40: {  	[tilespmem:s0+$0x20] =	vst v0  }
0x41: {  	[tilespmem:s0+$0x10] =	vst v0  }
0x42: {  	[tilespmem:s0+$0x0] =	vst v0  }
0x43: {  	[tilespmem:s0+$0xFFFFFFF0] =	vst v0  }
.Ltmp2:
0x44: {  	[tilespmem:s0+$0xFFFFFFE0] =	vst v0;
	(pc) =	sbr.rel @p1 .LBB2_2-.Ltmp2, $4  }
0x45: {  	[tilespmem:s0+$0xFFFFFFD0] =	vst v0  }
0x46: {  	[tilespmem:s0+$0xFFFFFFC0] =	vst v0  }
0x47: {  	[tilespmem:s0+$0xFFFFFFB0] =	vst v0  }
0x48: {  	[tilespmem:s0+$0xFFFFFFA0] =	vst v0  }
.Ltmp3:
0x49: {  	(pc) =	sbr.rel .LBB2_4-.Ltmp3, $2  }
0x4a: {  	_ =	sdelay $0x2  }
0x4b: {  	[tilespmem:s0+$0xFFFFFF90] =	vst v0;
	s23 =	simm.s32 $0x0  }
.LBB2_11:
0x4c: {  	s23 =	sadd.s32 $0x1, s23  }
0x4d: {  	p1 =	sne.s32 s23, $0x7  }
.Ltmp4:
0x4e: {  	_ = 	snop;
	(pc) =	sbr.rel @!p1 .LBB2_12-.Ltmp4, $1  }
0x4f: {  	_ =	sdelay $0x3  }
.LBB2_4:
0x50: {  	s24 =	smul.u32 $0x3, s23;
	_ =	sdelay $0x1  }
0x51: {  	s0 =	sadd.s32 $0x2, s24  }
0x52: {  	p1 =	sge.u32 s0, s7  }
0x53: {  	s0 =	sshll.u32 @!p1 s0, $0xE  }
0x54: {  	s0 =	sor.u32 @!p1 s8, s0  }
0x55: {  	s15 =	simm.s32 @!p1 $0x0;
	s25 =	simm.s32 @!p1 $0xA000;
	s5 =	sadd.s32 @!p1 s2, s0  }
0x56: {  	[tilespmem:s25], [sflag:$0x3] =	stream.linear.gather @!p1 [hbm4b:s5+s15], $0x1000, $0x38;
	[tilespmem:$0x11000] =	vst v63  }
0x57: {  	s5 =	sadd.s32 @!p1 s3, s0;
	s25 =	simm.s32 @!p1 $0xD000  }
0x58: {  	[tilespmem:s25], [sflag:$0x3] =	stream.linear.gather @!p1 [hbm4b:s5+s15], $0x1000, $0x38;
	[tilespmem:$0x11000] =	vst v63  }
0x59: {  	s0 =	sadd.s32 @!p1 s4, s0;
	s5 =	simm.s32 @!p1 $0x10000  }
0x5a: {  	[tilespmem:s5], [sflag:$0x3] =	stream.linear.gather @!p1 [hbm4b:s0+s15], $0x1000, $0x38;
	[tilespmem:$0x11000] =	vst v63  }
0x5b: {  	_ =	swait.ge [sflag:s28], $0x1000  }
0x5c: {  	[sflag:s28] =	ssyncset.done $0x0  }
0x5d: {  	[sflag:s28] =	ssyncadd.s32 $0xFFFFF000  }
0x5e: {  	_ =	swait.ge [sflag:s28], $0x1000  }
0x5f: {  	[sflag:s28] =	ssyncset.done $0x0  }
0x60: {  	[sflag:s28] =	ssyncadd.s32 $0xFFFFF000  }
0x61: {  	_ =	swait.ge [sflag:s28], $0x1000  }
0x62: {  	[sflag:s28] =	ssyncset.done $0x0  }
0x63: {  	s15 =	simm.s32 $0xB080;
	[sflag:s28] =	ssyncadd.s32 $0xFFFFF000  }
0x64: {  	v1 =	vld [tilespmem:s15+$0x70]  }
0x65: {  	v2 =	vld [tilespmem:s15+$0xFFFFFF90]  }
0x66: {  	v3 =	vld [tilespmem:s15+$0xFFFFFFA0]  }
0x67: {  	v4 =	vld [tilespmem:s15+$0xFFFFFFB0]  }
0x68: {  	v5 =	vld [tilespmem:s15+$0xFFFFFFC0]  }
0x69: {  	v6 =	vld [tilespmem:s15+$0xFFFFFFD0]  }
0x6a: {  	s25 =	simm.s32 $0x8080;
	v7 =	vld [tilespmem:s15+$0xFFFFFFE0]  }
0x6b: {  	s0 =	simm.s32 $0xE080;
	v8 =	vld [tilespmem:s25+$0x70]  }
0x6c: {  	v9 =	vld [tilespmem:s0+$0x70]  }
0x6d: {  	v10 =	vld [tilespmem:s15+$0xFFFFFFF0]  }
0x6e: {  	v11 =	vld [tilespmem:s15+$0x0]  }
0x6f: {  	v12 =	vld [tilespmem:s15+$0x10]  }
0x70: {  	v13 =	vld [tilespmem:s15+$0x20]  }
0x71: {  	v14 =	vld [tilespmem:s15+$0x30]  }
0x72: {  	v47 =	vld [tilespmem:s15+$0x40]  }
0x73: {  	v48 =	vld [tilespmem:s15+$0x60]  }
0x74: {  	v15 =	vld [tilespmem:s15+$0xFFFFFF80]  }
0x75: {  	v16 =	vld [tilespmem:s0+$0xFFFFFF80]  }
0x76: {  	v17 =	vld [tilespmem:s0+$0xFFFFFF90]  }
0x77: {  	v18 =	vld [tilespmem:s0+$0xFFFFFFA0]  }
0x78: {  	v19 =	vld [tilespmem:s0+$0xFFFFFFB0]  }
0x79: {  	v20 =	vld [tilespmem:s0+$0xFFFFFFC0]  }
0x7a: {  	v21 =	vld [tilespmem:s0+$0xFFFFFFD0]  }
0x7b: {  	v22 =	vld [tilespmem:s0+$0xFFFFFFE0]  }
0x7c: {  	v23 =	vld [tilespmem:s0+$0xFFFFFFF0]  }
0x7d: {  	v24 =	vld [tilespmem:s0+$0x0]  }
0x7e: {  	v25 =	vld [tilespmem:s25+$0xFFFFFF80]  }
0x7f: {  	v26 =	vld [tilespmem:s0+$0x10]  }
0x80: {  	v27 =	vld [tilespmem:s0+$0x20]  }
0x81: {  	v28 =	vld [tilespmem:s0+$0x30]  }
0x82: {  	v29 =	vld [tilespmem:s25+$0xFFFFFF90]  }
0x83: {  	v30 =	vld [tilespmem:s0+$0x40]  }
0x84: {  	v49 =	vld [tilespmem:s0+$0x50]  }
0x85: {  	v31 =	vld [tilespmem:s25+$0xFFFFFFA0]  }
0x86: {  	v50 =	vld [tilespmem:s0+$0x60]  }
0x87: {  	v51 =	vld [tilespmem:s25+$0xFFFFFFB0]  }
0x88: {  	v52 =	vld [tilespmem:s25+$0xFFFFFFC0]  }
0x89: {  	v53 =	vld [tilespmem:s25+$0xFFFFFFE0]  }
0x8a: {  	v54 =	vld [tilespmem:s25+$0xFFFFFFF0]  }
0x8b: {  	v55 =	vld [tilespmem:s25+$0x10]  }
0x8c: {  	v56 =	vld [tilespmem:s25+$0x20]  }
0x8d: {  	v57 =	vld [tilespmem:s25+$0x30]  }
0x8e: {  	v58 =	vld [tilespmem:s25+$0x40]  }
0x8f: {  	v59 =	vld [tilespmem:s25+$0x50]  }
0x90: {  	v60 =	vld [tilespmem:s25+$0x60]  }
0x91: {  	v1 =	vld.idx.msk [tilespmem:v1+s6+$0x0], $0xffff  }
0x92: {  	v2 =	vld.idx.msk [tilespmem:v2+s6+$0x0], $0xffff  }
0x93: {  	v3 =	vld.idx.msk [tilespmem:v3+s6+$0x0], $0xffff  }
0x94: {  	v4 =	vld.idx.msk [tilespmem:v4+s6+$0x0], $0xffff  }
0x95: {  	v5 =	vld.idx.msk [tilespmem:v5+s6+$0x0], $0xffff  }
0x96: {  	v6 =	vld.idx.msk [tilespmem:v6+s6+$0x0], $0xffff  }
0x97: {  	v7 =	vld.idx.msk [tilespmem:v7+s6+$0x0], $0xffff  }
0x98: {  	v10 =	vld.idx.msk [tilespmem:v10+s6+$0x0], $0xffff  }
0x99: {  	v15 =	vld.idx.msk [tilespmem:v15+s6+$0x0], $0xffff  }
0x9a: {  	v11 =	vld.idx.msk [tilespmem:v11+s6+$0x0], $0xffff  }
0x9b: {  	v12 =	vld.idx.msk [tilespmem:v12+s6+$0x0], $0xffff  }
0x9c: {  	v13 =	vld.idx.msk [tilespmem:v13+s6+$0x0], $0xffff  }
0x9d: {  	v14 =	vld.idx.msk [tilespmem:v14+s6+$0x0], $0xffff;
	v1 =	vmul.f32 v1, v9  }
0x9e: {  	v9 =	vld.idx.msk [tilespmem:v47+s6+$0x0], $0xffff  }
0x9f: {  	[tilespmem:v8+s29+$0x0] =	vst.idx.add.f32.msk $0xffff, v1  }
0xa0: {  	v15 =	vmul.f32 v15, v16;
	v1 =	vld [tilespmem:s15+$0x50]  }
0xa1: {  	v2 =	vmul.f32 v2, v17;
	v8 =	vld.idx.msk [tilespmem:v48+s6+$0x0], $0xffff  }
0xa2: {  	[tilespmem:v25+s29+$0x0] =	vst.idx.add.f32.msk $0xffff, v15  }
0xa3: {  	v3 =	vmul.f32 v3, v18;
	[tilespmem:v29+s29+$0x0] =	vst.idx.add.f32.msk $0xffff, v2  }
0xa4: {  	v2 =	vld [tilespmem:s25+$0xFFFFFFD0]  }
0xa5: {  	v4 =	vmul.f32 v4, v19;
	[tilespmem:v31+s29+$0x0] =	vst.idx.add.f32.msk $0xffff, v3  }
0xa6: {  	v5 =	vmul.f32 v5, v20;
	v3 =	vld [tilespmem:s25+$0x0]  }
0xa7: {  	v7 =	vmul.f32 v7, v22;
	[tilespmem:v51+s29+$0x0] =	vst.idx.add.f32.msk $0xffff, v4  }
0xa8: {  	v61 =	vmul.f32 v10, v23;
	[tilespmem:v52+s29+$0x0] =	vst.idx.add.f32.msk $0xffff, v5  }
0xa9: {  	[tilespmem:v53+s29+$0x0] =	vst.idx.add.f32.msk $0xffff, v7  }
0xaa: {  	v6 =	vmul.f32 v6, v21;
	[tilespmem:v54+s29+$0x0] =	vst.idx.add.f32.msk $0xffff, v61  }
0xab: {  	v62 =	vmul.f32 v12, v26;
	v1 =	vld.idx.msk [tilespmem:v1+s6+$0x0], $0xffff  }
0xac: {  	[tilespmem:v2+s29+$0x0] =	vst.idx.add.f32.msk $0xffff, v6;
	v2 =	vmul.f32 v11, v24  }
0xad: {  	v63 =	vmul.f32 v13, v27;
	[tilespmem:v55+s29+$0x0] =	vst.idx.add.f32.msk $0xffff, v62  }
0xae: {  	[tilespmem:v3+s29+$0x0] =	vst.idx.add.f32.msk $0xffff, v2;
	v2 =	vmul.f32 v14, v28  }
0xaf: {  	[tilespmem:v56+s29+$0x0] =	vst.idx.add.f32.msk $0xffff, v63;
	v3 =	vmul.f32 v9, v30  }
0xb0: {  	[tilespmem:v57+s29+$0x0] =	vst.idx.add.f32.msk $0xffff, v2;
	v2 =	vmul.f32 v8, v50  }
0xb1: {  	[tilespmem:v58+s29+$0x0] =	vst.idx.add.f32.msk $0xffff, v3;
	v1 =	vmul.f32 v1, v49  }
0xb2: {  	[tilespmem:v60+s29+$0x0] =	vst.idx.add.f32.msk $0xffff, v2  }
0xb3: {  	s5 =	simm.s32 $0x0;
	s15 =	simm.s32 $0xB180;
	[tilespmem:v59+s29+$0x0] =	vst.idx.add.f32.msk $0xffff, v1  }
.LBB2_5:
0xb4: {  	v1 =	vld [tilespmem:s15+$0x70];
	s5 =	sadd.s32 $0x10, s5  }
0xb5: {  	v2 =	vld [tilespmem:s15+$0xFFFFFF90];
	p2 =	slt.u32 s5, $0xF0  }
0xb6: {  	v3 =	vld [tilespmem:s15+$0xFFFFFFA0]  }
0xb7: {  	v4 =	vld [tilespmem:s15+$0xFFFFFFB0]  }
0xb8: {  	v5 =	vld [tilespmem:s15+$0xFFFFFFC0]  }
0xb9: {  	v6 =	vld [tilespmem:s15+$0xFFFFFFD0]  }
0xba: {  	s25 =	sadd.s32 $0x100, s25;
	v7 =	vld [tilespmem:s15+$0xFFFFFFE0]  }
0xbb: {  	v8 =	vld [tilespmem:s25+$0x70]  }
0xbc: {  	s0 =	sadd.s32 $0x100, s0;
	v1 =	vld.idx.msk [tilespmem:v1+s6+$0x0], $0xffff  }
0xbd: {  	v9 =	vld [tilespmem:s0+$0x70]  }
0xbe: {  	v10 =	vld [tilespmem:s15+$0xFFFFFFF0]  }
0xbf: {  	v11 =	vld [tilespmem:s15+$0x0]  }
0xc0: {  	v12 =	vld [tilespmem:s15+$0x10]  }
0xc1: {  	v13 =	vld [tilespmem:s15+$0x20]  }
0xc2: {  	v14 =	vld [tilespmem:s15+$0x30];
	v1 =	vmul.f32 v1, v9  }
0xc3: {  	v9 =	vld [tilespmem:s15+$0x40]  }
0xc4: {  	[tilespmem:v8+s29+$0x0] =	vst.idx.add.f32.msk $0xffff, v1  }
0xc5: {  	v1 =	vld [tilespmem:s15+$0x50]  }
0xc6: {  	v8 =	vld [tilespmem:s15+$0x60]  }
0xc7: {  	v15 =	vld [tilespmem:s15+$0xFFFFFF80]  }
0xc8: {  	v2 =	vld.idx.msk [tilespmem:v2+s6+$0x0], $0xffff  }
0xc9: {  	v3 =	vld.idx.msk [tilespmem:v3+s6+$0x0], $0xffff  }
0xca: {  	v4 =	vld.idx.msk [tilespmem:v4+s6+$0x0], $0xffff  }
0xcb: {  	v5 =	vld.idx.msk [tilespmem:v5+s6+$0x0], $0xffff  }
0xcc: {  	v6 =	vld.idx.msk [tilespmem:v6+s6+$0x0], $0xffff  }
0xcd: {  	v7 =	vld.idx.msk [tilespmem:v7+s6+$0x0], $0xffff  }
0xce: {  	v10 =	vld.idx.msk [tilespmem:v10+s6+$0x0], $0xffff  }
0xcf: {  	v15 =	vld.idx.msk [tilespmem:v15+s6+$0x0], $0xffff  }
0xd0: {  	v11 =	vld.idx.msk [tilespmem:v11+s6+$0x0], $0xffff  }
0xd1: {  	v12 =	vld.idx.msk [tilespmem:v12+s6+$0x0], $0xffff  }
0xd2: {  	v13 =	vld.idx.msk [tilespmem:v13+s6+$0x0], $0xffff  }
0xd3: {  	v14 =	vld.idx.msk [tilespmem:v14+s6+$0x0], $0xffff  }
0xd4: {  	v9 =	vld.idx.msk [tilespmem:v9+s6+$0x0], $0xffff  }
0xd5: {  	v1 =	vld.idx.msk [tilespmem:v1+s6+$0x0], $0xffff  }
0xd6: {  	v8 =	vld.idx.msk [tilespmem:v8+s6+$0x0], $0xffff  }
0xd7: {  	v16 =	vld [tilespmem:s0+$0xFFFFFF80]  }
0xd8: {  	v17 =	vld [tilespmem:s0+$0xFFFFFF90]  }
0xd9: {  	v18 =	vld [tilespmem:s0+$0xFFFFFFA0]  }
0xda: {  	v19 =	vld [tilespmem:s0+$0xFFFFFFB0]  }
0xdb: {  	v20 =	vld [tilespmem:s0+$0xFFFFFFC0]  }
0xdc: {  	v15 =	vmul.f32 v15, v16;
	v16 =	vld [tilespmem:s0+$0xFFFFFFD0]  }
0xdd: {  	v2 =	vmul.f32 v2, v17;
	v17 =	vld [tilespmem:s0+$0xFFFFFFE0]  }
0xde: {  	v3 =	vmul.f32 v3, v18;
	v18 =	vld [tilespmem:s0+$0xFFFFFFF0]  }
0xdf: {  	v4 =	vmul.f32 v4, v19;
	v19 =	vld [tilespmem:s0+$0x0]  }
0xe0: {  	v5 =	vmul.f32 v5, v20;
	v20 =	vld [tilespmem:s0+$0x10]  }
0xe1: {  	v6 =	vmul.f32 v6, v16;
	v16 =	vld [tilespmem:s0+$0x20]  }
0xe2: {  	v7 =	vmul.f32 v7, v17;
	v17 =	vld [tilespmem:s0+$0x30]  }
0xe3: {  	v10 =	vmul.f32 v10, v18;
	v18 =	vld [tilespmem:s0+$0x40]  }
0xe4: {  	v11 =	vmul.f32 v11, v19;
	v19 =	vld [tilespmem:s0+$0x50]  }
0xe5: {  	v12 =	vmul.f32 v12, v20;
	v20 =	vld [tilespmem:s0+$0x60]  }
0xe6: {  	v21 =	vld [tilespmem:s25+$0xFFFFFF80];
	v13 =	vmul.f32 v13, v16  }
0xe7: {  	v16 =	vld [tilespmem:s25+$0xFFFFFF90];
	v14 =	vmul.f32 v14, v17  }
0xe8: {  	v17 =	vld [tilespmem:s25+$0xFFFFFFA0];
	v9 =	vmul.f32 v9, v18  }
0xe9: {  	v18 =	vld [tilespmem:s25+$0xFFFFFFB0];
	v1 =	vmul.f32 v1, v19  }
0xea: {  	v19 =	vld [tilespmem:s25+$0xFFFFFFC0];
	v8 =	vmul.f32 v8, v20  }
0xeb: {  	v20 =	vld [tilespmem:s25+$0xFFFFFFD0]  }
0xec: {  	v22 =	vld [tilespmem:s25+$0xFFFFFFE0]  }
0xed: {  	v23 =	vld [tilespmem:s25+$0xFFFFFFF0]  }
0xee: {  	v24 =	vld [tilespmem:s25+$0x0]  }
0xef: {  	v25 =	vld [tilespmem:s25+$0x10]  }
0xf0: {  	v26 =	vld [tilespmem:s25+$0x20]  }
0xf1: {  	v27 =	vld [tilespmem:s25+$0x30]  }
0xf2: {  	v28 =	vld [tilespmem:s25+$0x40]  }
0xf3: {  	v29 =	vld [tilespmem:s25+$0x50]  }
0xf4: {  	v30 =	vld [tilespmem:s25+$0x60]  }
0xf5: {  	[tilespmem:v21+s29+$0x0] =	vst.idx.add.f32.msk $0xffff, v15  }
0xf6: {  	[tilespmem:v16+s29+$0x0] =	vst.idx.add.f32.msk $0xffff, v2  }
0xf7: {  	[tilespmem:v17+s29+$0x0] =	vst.idx.add.f32.msk $0xffff, v3  }
0xf8: {  	[tilespmem:v18+s29+$0x0] =	vst.idx.add.f32.msk $0xffff, v4  }
0xf9: {  	[tilespmem:v19+s29+$0x0] =	vst.idx.add.f32.msk $0xffff, v5  }
0xfa: {  	[tilespmem:v20+s29+$0x0] =	vst.idx.add.f32.msk $0xffff, v6  }
0xfb: {  	[tilespmem:v22+s29+$0x0] =	vst.idx.add.f32.msk $0xffff, v7  }
0xfc: {  	[tilespmem:v23+s29+$0x0] =	vst.idx.add.f32.msk $0xffff, v10  }
0xfd: {  	[tilespmem:v24+s29+$0x0] =	vst.idx.add.f32.msk $0xffff, v11  }
0xfe: {  	[tilespmem:v25+s29+$0x0] =	vst.idx.add.f32.msk $0xffff, v12  }
.Ltmp5:
0xff: {  	[tilespmem:v26+s29+$0x0] =	vst.idx.add.f32.msk $0xffff, v13;
	(pc) =	sbr.rel @p2 .LBB2_5-.Ltmp5, $4  }
0x100: {  	[tilespmem:v27+s29+$0x0] =	vst.idx.add.f32.msk $0xffff, v14  }
0x101: {  	[tilespmem:v28+s29+$0x0] =	vst.idx.add.f32.msk $0xffff, v9  }
0x102: {  	[tilespmem:v29+s29+$0x0] =	vst.idx.add.f32.msk $0xffff, v1  }
0x103: {  	s15 =	sadd.s32 $0x100, s15;
	[tilespmem:v30+s29+$0x0] =	vst.idx.add.f32.msk $0xffff, v8  }
0x104: {  	s0 =	sadd.s32 $0x3, s24  }
0x105: {  	p2 =	sge.u32 s0, s7  }
0x106: {  	s0 =	sshll.u32 @!p2 s0, $0xE  }
0x107: {  	s0 =	sor.u32 @!p2 s8, s0  }
0x108: {  	s15 =	simm.s32 @!p2 $0x0;
	s25 =	simm.s32 @!p2 $0x8000;
	s5 =	sadd.s32 @!p2 s2, s0  }
0x109: {  	[tilespmem:s25], [sflag:$0x1] =	stream.linear.gather @!p2 [hbm4b:s5+s15], $0x1000, $0x38;
	[tilespmem:$0x11000] =	vst v63  }
0x10a: {  	s5 =	sadd.s32 @!p2 s3, s0;
	s25 =	simm.s32 @!p2 $0xB000  }
0x10b: {  	[tilespmem:s25], [sflag:$0x1] =	stream.linear.gather @!p2 [hbm4b:s5+s15], $0x1000, $0x38;
	[tilespmem:$0x11000] =	vst v63  }
0x10c: {  	s0 =	sadd.s32 @!p2 s4, s0;
	s5 =	simm.s32 @!p2 $0xE000  }
0x10d: {  	[tilespmem:s5], [sflag:$0x1] =	stream.linear.gather @!p2 [hbm4b:s0+s15], $0x1000, $0x38;
	[tilespmem:$0x11000] =	vst v63  }
0x10e: {  	_ =	swait.ge [sflag:s30], $0x1000  }
0x10f: {  	[sflag:s30] =	ssyncset.done $0x0  }
0x110: {  	[sflag:s30] =	ssyncadd.s32 $0xFFFFF000  }
0x111: {  	_ =	swait.ge [sflag:s30], $0x1000  }
0x112: {  	[sflag:s30] =	ssyncset.done $0x0  }
0x113: {  	[sflag:s30] =	ssyncadd.s32 $0xFFFFF000  }
0x114: {  	_ =	swait.ge [sflag:s30], $0x1000  }
0x115: {  	[sflag:s30] =	ssyncset.done $0x0  }
0x116: {  	s15 =	simm.s32 $0xC080;
	[sflag:s30] =	ssyncadd.s32 $0xFFFFF000  }
0x117: {  	v1 =	vld [tilespmem:s15+$0x70]  }
0x118: {  	v2 =	vld [tilespmem:s15+$0xFFFFFF90]  }
0x119: {  	v3 =	vld [tilespmem:s15+$0xFFFFFFA0]  }
0x11a: {  	v4 =	vld [tilespmem:s15+$0xFFFFFFB0]  }
0x11b: {  	v5 =	vld [tilespmem:s15+$0xFFFFFFC0]  }
0x11c: {  	v6 =	vld [tilespmem:s15+$0xFFFFFFD0]  }
0x11d: {  	s25 =	simm.s32 $0x9080;
	v7 =	vld [tilespmem:s15+$0xFFFFFFE0]  }
0x11e: {  	s0 =	simm.s32 $0xF080;
	v8 =	vld [tilespmem:s25+$0x70]  }
0x11f: {  	v9 =	vld [tilespmem:s0+$0x70]  }
0x120: {  	v10 =	vld [tilespmem:s15+$0xFFFFFFF0]  }
0x121: {  	v11 =	vld [tilespmem:s15+$0x0]  }
0x122: {  	v12 =	vld [tilespmem:s15+$0x10]  }
0x123: {  	v13 =	vld [tilespmem:s15+$0x20]  }
0x124: {  	v14 =	vld [tilespmem:s15+$0x30]  }
0x125: {  	v47 =	vld [tilespmem:s15+$0x40]  }
0x126: {  	v48 =	vld [tilespmem:s15+$0x60]  }
0x127: {  	v15 =	vld [tilespmem:s15+$0xFFFFFF80]  }
0x128: {  	v16 =	vld [tilespmem:s0+$0xFFFFFF80]  }
0x129: {  	v17 =	vld [tilespmem:s0+$0xFFFFFF90]  }
0x12a: {  	v18 =	vld [tilespmem:s0+$0xFFFFFFA0]  }
0x12b: {  	v19 =	vld [tilespmem:s0+$0xFFFFFFB0]  }
0x12c: {  	v20 =	vld [tilespmem:s0+$0xFFFFFFC0]  }
0x12d: {  	v21 =	vld [tilespmem:s0+$0xFFFFFFD0]  }
0x12e: {  	v22 =	vld [tilespmem:s0+$0xFFFFFFE0]  }
0x12f: {  	v23 =	vld [tilespmem:s0+$0xFFFFFFF0]  }
0x130: {  	v24 =	vld [tilespmem:s0+$0x0]  }
0x131: {  	v25 =	vld [tilespmem:s25+$0xFFFFFF80]  }
0x132: {  	v26 =	vld [tilespmem:s0+$0x10]  }
0x133: {  	v27 =	vld [tilespmem:s0+$0x20]  }
0x134: {  	v28 =	vld [tilespmem:s0+$0x30]  }
0x135: {  	v29 =	vld [tilespmem:s25+$0xFFFFFF90]  }
0x136: {  	v30 =	vld [tilespmem:s0+$0x40]  }
0x137: {  	v49 =	vld [tilespmem:s0+$0x50]  }
0x138: {  	v31 =	vld [tilespmem:s25+$0xFFFFFFA0]  }
0x139: {  	v50 =	vld [tilespmem:s0+$0x60]  }
0x13a: {  	v51 =	vld [tilespmem:s25+$0xFFFFFFB0]  }
0x13b: {  	v52 =	vld [tilespmem:s25+$0xFFFFFFC0]  }
0x13c: {  	v53 =	vld [tilespmem:s25+$0xFFFFFFE0]  }
0x13d: {  	v54 =	vld [tilespmem:s25+$0xFFFFFFF0]  }
0x13e: {  	v55 =	vld [tilespmem:s25+$0x10]  }
0x13f: {  	v56 =	vld [tilespmem:s25+$0x20]  }
0x140: {  	v57 =	vld [tilespmem:s25+$0x30]  }
0x141: {  	v58 =	vld [tilespmem:s25+$0x40]  }
0x142: {  	v59 =	vld [tilespmem:s25+$0x50]  }
0x143: {  	v60 =	vld [tilespmem:s25+$0x60]  }
0x144: {  	v1 =	vld.idx.msk [tilespmem:v1+s6+$0x0], $0xffff  }
0x145: {  	v2 =	vld.idx.msk [tilespmem:v2+s6+$0x0], $0xffff  }
0x146: {  	v3 =	vld.idx.msk [tilespmem:v3+s6+$0x0], $0xffff  }
0x147: {  	v4 =	vld.idx.msk [tilespmem:v4+s6+$0x0], $0xffff  }
0x148: {  	v5 =	vld.idx.msk [tilespmem:v5+s6+$0x0], $0xffff  }
0x149: {  	v6 =	vld.idx.msk [tilespmem:v6+s6+$0x0], $0xffff  }
0x14a: {  	v7 =	vld.idx.msk [tilespmem:v7+s6+$0x0], $0xffff  }
0x14b: {  	v10 =	vld.idx.msk [tilespmem:v10+s6+$0x0], $0xffff  }
0x14c: {  	v15 =	vld.idx.msk [tilespmem:v15+s6+$0x0], $0xffff  }
0x14d: {  	v11 =	vld.idx.msk [tilespmem:v11+s6+$0x0], $0xffff  }
0x14e: {  	v12 =	vld.idx.msk [tilespmem:v12+s6+$0x0], $0xffff  }
0x14f: {  	v13 =	vld.idx.msk [tilespmem:v13+s6+$0x0], $0xffff  }
0x150: {  	v14 =	vld.idx.msk [tilespmem:v14+s6+$0x0], $0xffff;
	v1 =	vmul.f32 v1, v9  }
0x151: {  	v9 =	vld.idx.msk [tilespmem:v47+s6+$0x0], $0xffff  }
0x152: {  	[tilespmem:v8+s29+$0x0] =	vst.idx.add.f32.msk $0xffff, v1  }
0x153: {  	v15 =	vmul.f32 v15, v16;
	v1 =	vld [tilespmem:s15+$0x50]  }
0x154: {  	v2 =	vmul.f32 v2, v17;
	v8 =	vld.idx.msk [tilespmem:v48+s6+$0x0], $0xffff  }
0x155: {  	[tilespmem:v25+s29+$0x0] =	vst.idx.add.f32.msk $0xffff, v15  }
0x156: {  	v3 =	vmul.f32 v3, v18;
	[tilespmem:v29+s29+$0x0] =	vst.idx.add.f32.msk $0xffff, v2  }
0x157: {  	v2 =	vld [tilespmem:s25+$0xFFFFFFD0]  }
0x158: {  	v4 =	vmul.f32 v4, v19;
	[tilespmem:v31+s29+$0x0] =	vst.idx.add.f32.msk $0xffff, v3  }
0x159: {  	v5 =	vmul.f32 v5, v20;
	v3 =	vld [tilespmem:s25+$0x0]  }
0x15a: {  	v7 =	vmul.f32 v7, v22;
	[tilespmem:v51+s29+$0x0] =	vst.idx.add.f32.msk $0xffff, v4  }
0x15b: {  	v61 =	vmul.f32 v10, v23;
	[tilespmem:v52+s29+$0x0] =	vst.idx.add.f32.msk $0xffff, v5  }
0x15c: {  	[tilespmem:v53+s29+$0x0] =	vst.idx.add.f32.msk $0xffff, v7  }
0x15d: {  	v6 =	vmul.f32 v6, v21;
	[tilespmem:v54+s29+$0x0] =	vst.idx.add.f32.msk $0xffff, v61  }
0x15e: {  	v62 =	vmul.f32 v12, v26;
	v1 =	vld.idx.msk [tilespmem:v1+s6+$0x0], $0xffff  }
0x15f: {  	[tilespmem:v2+s29+$0x0] =	vst.idx.add.f32.msk $0xffff, v6;
	v2 =	vmul.f32 v11, v24  }
0x160: {  	v63 =	vmul.f32 v13, v27;
	[tilespmem:v55+s29+$0x0] =	vst.idx.add.f32.msk $0xffff, v62  }
0x161: {  	[tilespmem:v3+s29+$0x0] =	vst.idx.add.f32.msk $0xffff, v2;
	v2 =	vmul.f32 v14, v28  }
0x162: {  	[tilespmem:v56+s29+$0x0] =	vst.idx.add.f32.msk $0xffff, v63;
	v3 =	vmul.f32 v9, v30  }
0x163: {  	[tilespmem:v57+s29+$0x0] =	vst.idx.add.f32.msk $0xffff, v2;
	v2 =	vmul.f32 v8, v50  }
0x164: {  	[tilespmem:v58+s29+$0x0] =	vst.idx.add.f32.msk $0xffff, v3;
	v1 =	vmul.f32 v1, v49  }
0x165: {  	[tilespmem:v60+s29+$0x0] =	vst.idx.add.f32.msk $0xffff, v2  }
0x166: {  	s5 =	simm.s32 $0x0;
	s15 =	simm.s32 $0xC180;
	[tilespmem:v59+s29+$0x0] =	vst.idx.add.f32.msk $0xffff, v1  }
.LBB2_7:
0x167: {  	v1 =	vld [tilespmem:s15+$0x70];
	s5 =	sadd.s32 $0x10, s5  }
0x168: {  	v2 =	vld [tilespmem:s15+$0xFFFFFF90];
	p2 =	slt.u32 s5, $0xF0  }
0x169: {  	v3 =	vld [tilespmem:s15+$0xFFFFFFA0]  }
0x16a: {  	v4 =	vld [tilespmem:s15+$0xFFFFFFB0]  }
0x16b: {  	v5 =	vld [tilespmem:s15+$0xFFFFFFC0]  }
0x16c: {  	v6 =	vld [tilespmem:s15+$0xFFFFFFD0]  }
0x16d: {  	s25 =	sadd.s32 $0x100, s25;
	v7 =	vld [tilespmem:s15+$0xFFFFFFE0]  }
0x16e: {  	v8 =	vld [tilespmem:s25+$0x70]  }
0x16f: {  	s0 =	sadd.s32 $0x100, s0;
	v1 =	vld.idx.msk [tilespmem:v1+s6+$0x0], $0xffff  }
0x170: {  	v9 =	vld [tilespmem:s0+$0x70]  }
0x171: {  	v10 =	vld [tilespmem:s15+$0xFFFFFFF0]  }
0x172: {  	v11 =	vld [tilespmem:s15+$0x0]  }
0x173: {  	v12 =	vld [tilespmem:s15+$0x10]  }
0x174: {  	v13 =	vld [tilespmem:s15+$0x20]  }
0x175: {  	v14 =	vld [tilespmem:s15+$0x30];
	v1 =	vmul.f32 v1, v9  }
0x176: {  	v9 =	vld [tilespmem:s15+$0x40]  }
0x177: {  	[tilespmem:v8+s29+$0x0] =	vst.idx.add.f32.msk $0xffff, v1  }
0x178: {  	v1 =	vld [tilespmem:s15+$0x50]  }
0x179: {  	v8 =	vld [tilespmem:s15+$0x60]  }
0x17a: {  	v15 =	vld [tilespmem:s15+$0xFFFFFF80]  }
0x17b: {  	v2 =	vld.idx.msk [tilespmem:v2+s6+$0x0], $0xffff  }
0x17c: {  	v3 =	vld.idx.msk [tilespmem:v3+s6+$0x0], $0xffff  }
0x17d: {  	v4 =	vld.idx.msk [tilespmem:v4+s6+$0x0], $0xffff  }
0x17e: {  	v5 =	vld.idx.msk [tilespmem:v5+s6+$0x0], $0xffff  }
0x17f: {  	v6 =	vld.idx.msk [tilespmem:v6+s6+$0x0], $0xffff  }
0x180: {  	v7 =	vld.idx.msk [tilespmem:v7+s6+$0x0], $0xffff  }
0x181: {  	v10 =	vld.idx.msk [tilespmem:v10+s6+$0x0], $0xffff  }
0x182: {  	v15 =	vld.idx.msk [tilespmem:v15+s6+$0x0], $0xffff  }
0x183: {  	v11 =	vld.idx.msk [tilespmem:v11+s6+$0x0], $0xffff  }
0x184: {  	v12 =	vld.idx.msk [tilespmem:v12+s6+$0x0], $0xffff  }
0x185: {  	v13 =	vld.idx.msk [tilespmem:v13+s6+$0x0], $0xffff  }
0x186: {  	v14 =	vld.idx.msk [tilespmem:v14+s6+$0x0], $0xffff  }
0x187: {  	v9 =	vld.idx.msk [tilespmem:v9+s6+$0x0], $0xffff  }
0x188: {  	v1 =	vld.idx.msk [tilespmem:v1+s6+$0x0], $0xffff  }
0x189: {  	v8 =	vld.idx.msk [tilespmem:v8+s6+$0x0], $0xffff  }
0x18a: {  	v16 =	vld [tilespmem:s0+$0xFFFFFF80]  }
0x18b: {  	v17 =	vld [tilespmem:s0+$0xFFFFFF90]  }
0x18c: {  	v18 =	vld [tilespmem:s0+$0xFFFFFFA0]  }
0x18d: {  	v19 =	vld [tilespmem:s0+$0xFFFFFFB0]  }
0x18e: {  	v20 =	vld [tilespmem:s0+$0xFFFFFFC0]  }
0x18f: {  	v15 =	vmul.f32 v15, v16;
	v16 =	vld [tilespmem:s0+$0xFFFFFFD0]  }
0x190: {  	v2 =	vmul.f32 v2, v17;
	v17 =	vld [tilespmem:s0+$0xFFFFFFE0]  }
0x191: {  	v3 =	vmul.f32 v3, v18;
	v18 =	vld [tilespmem:s0+$0xFFFFFFF0]  }
0x192: {  	v4 =	vmul.f32 v4, v19;
	v19 =	vld [tilespmem:s0+$0x0]  }
0x193: {  	v5 =	vmul.f32 v5, v20;
	v20 =	vld [tilespmem:s0+$0x10]  }
0x194: {  	v6 =	vmul.f32 v6, v16;
	v16 =	vld [tilespmem:s0+$0x20]  }
0x195: {  	v7 =	vmul.f32 v7, v17;
	v17 =	vld [tilespmem:s0+$0x30]  }
0x196: {  	v10 =	vmul.f32 v10, v18;
	v18 =	vld [tilespmem:s0+$0x40]  }
0x197: {  	v11 =	vmul.f32 v11, v19;
	v19 =	vld [tilespmem:s0+$0x50]  }
0x198: {  	v12 =	vmul.f32 v12, v20;
	v20 =	vld [tilespmem:s0+$0x60]  }
0x199: {  	v21 =	vld [tilespmem:s25+$0xFFFFFF80];
	v13 =	vmul.f32 v13, v16  }
0x19a: {  	v16 =	vld [tilespmem:s25+$0xFFFFFF90];
	v14 =	vmul.f32 v14, v17  }
0x19b: {  	v17 =	vld [tilespmem:s25+$0xFFFFFFA0];
	v9 =	vmul.f32 v9, v18  }
0x19c: {  	v18 =	vld [tilespmem:s25+$0xFFFFFFB0];
	v1 =	vmul.f32 v1, v19  }
0x19d: {  	v19 =	vld [tilespmem:s25+$0xFFFFFFC0];
	v8 =	vmul.f32 v8, v20  }
0x19e: {  	v20 =	vld [tilespmem:s25+$0xFFFFFFD0]  }
0x19f: {  	v22 =	vld [tilespmem:s25+$0xFFFFFFE0]  }
0x1a0: {  	v23 =	vld [tilespmem:s25+$0xFFFFFFF0]  }
0x1a1: {  	v24 =	vld [tilespmem:s25+$0x0]  }
0x1a2: {  	v25 =	vld [tilespmem:s25+$0x10]  }
0x1a3: {  	v26 =	vld [tilespmem:s25+$0x20]  }
0x1a4: {  	v27 =	vld [tilespmem:s25+$0x30]  }
0x1a5: {  	v28 =	vld [tilespmem:s25+$0x40]  }
0x1a6: {  	v29 =	vld [tilespmem:s25+$0x50]  }
0x1a7: {  	v30 =	vld [tilespmem:s25+$0x60]  }
0x1a8: {  	[tilespmem:v21+s29+$0x0] =	vst.idx.add.f32.msk $0xffff, v15  }
0x1a9: {  	[tilespmem:v16+s29+$0x0] =	vst.idx.add.f32.msk $0xffff, v2  }
0x1aa: {  	[tilespmem:v17+s29+$0x0] =	vst.idx.add.f32.msk $0xffff, v3  }
0x1ab: {  	[tilespmem:v18+s29+$0x0] =	vst.idx.add.f32.msk $0xffff, v4  }
0x1ac: {  	[tilespmem:v19+s29+$0x0] =	vst.idx.add.f32.msk $0xffff, v5  }
0x1ad: {  	[tilespmem:v20+s29+$0x0] =	vst.idx.add.f32.msk $0xffff, v6  }
0x1ae: {  	[tilespmem:v22+s29+$0x0] =	vst.idx.add.f32.msk $0xffff, v7  }
0x1af: {  	[tilespmem:v23+s29+$0x0] =	vst.idx.add.f32.msk $0xffff, v10  }
0x1b0: {  	[tilespmem:v24+s29+$0x0] =	vst.idx.add.f32.msk $0xffff, v11  }
0x1b1: {  	[tilespmem:v25+s29+$0x0] =	vst.idx.add.f32.msk $0xffff, v12  }
.Ltmp6:
0x1b2: {  	[tilespmem:v26+s29+$0x0] =	vst.idx.add.f32.msk $0xffff, v13;
	(pc) =	sbr.rel @p2 .LBB2_7-.Ltmp6, $4  }
0x1b3: {  	[tilespmem:v27+s29+$0x0] =	vst.idx.add.f32.msk $0xffff, v14  }
0x1b4: {  	[tilespmem:v28+s29+$0x0] =	vst.idx.add.f32.msk $0xffff, v9  }
0x1b5: {  	[tilespmem:v29+s29+$0x0] =	vst.idx.add.f32.msk $0xffff, v1  }
0x1b6: {  	s15 =	sadd.s32 $0x100, s15;
	[tilespmem:v30+s29+$0x0] =	vst.idx.add.f32.msk $0xffff, v8  }
0x1b7: {  	s0 =	sadd.s32 $0x4, s24  }
0x1b8: {  	p2 =	sge.u32 s0, s7  }
0x1b9: {  	s0 =	sshll.u32 @!p2 s0, $0xE  }
0x1ba: {  	s0 =	sor.u32 @!p2 s8, s0  }
0x1bb: {  	s15 =	simm.s32 @!p2 $0x0;
	s24 =	simm.s32 @!p2 $0x9000;
	s5 =	sadd.s32 @!p2 s2, s0  }
0x1bc: {  	[tilespmem:s24], [sflag:$0x2] =	stream.linear.gather @!p2 [hbm4b:s5+s15], $0x1000, $0x38;
	[tilespmem:$0x11000] =	vst v63  }
.Ltmp7:
0x1bd: {  	_ = 	snop;
	(pc) =	sbr.rel @p1 .LBB2_11-.Ltmp7, $4  }
0x1be: {  	s5 =	sadd.s32 @!p2 s3, s0;
	s24 =	simm.s32 @!p2 $0xC000  }
0x1bf: {  	[tilespmem:s24], [sflag:$0x2] =	stream.linear.gather @!p2 [hbm4b:s5+s15], $0x1000, $0x38;
	[tilespmem:$0x11000] =	vst v63  }
0x1c0: {  	s0 =	sadd.s32 @!p2 s4, s0;
	s5 =	simm.s32 @!p2 $0xF000  }
0x1c1: {  	[tilespmem:s5], [sflag:$0x2] =	stream.linear.gather @!p2 [hbm4b:s0+s15], $0x1000, $0x38;
	[tilespmem:$0x11000] =	vst v63  }
0x1c2: {  	_ =	swait.ge [sflag:s31], $0x1000  }
0x1c3: {  	[sflag:s31] =	ssyncset.done $0x0  }
0x1c4: {  	[sflag:s31] =	ssyncadd.s32 $0xFFFFF000  }
0x1c5: {  	_ =	swait.ge [sflag:s31], $0x1000  }
0x1c6: {  	[sflag:s31] =	ssyncset.done $0x0  }
0x1c7: {  	[sflag:s31] =	ssyncadd.s32 $0xFFFFF000  }
0x1c8: {  	_ =	swait.ge [sflag:s31], $0x1000  }
0x1c9: {  	[sflag:s31] =	ssyncset.done $0x0  }
0x1ca: {  	s5 =	simm.s32 $0xD080;
	[sflag:s31] =	ssyncadd.s32 $0xFFFFF000  }
0x1cb: {  	v1 =	vld [tilespmem:s5+$0x70]  }
0x1cc: {  	v2 =	vld [tilespmem:s5+$0xFFFFFF90]  }
0x1cd: {  	v3 =	vld [tilespmem:s5+$0xFFFFFFA0]  }
0x1ce: {  	v4 =	vld [tilespmem:s5+$0xFFFFFFB0]  }
0x1cf: {  	v5 =	vld [tilespmem:s5+$0xFFFFFFC0]  }
0x1d0: {  	v6 =	vld [tilespmem:s5+$0xFFFFFFD0]  }
0x1d1: {  	s24 =	simm.s32 $0xA080;
	v7 =	vld [tilespmem:s5+$0xFFFFFFE0]  }
0x1d2: {  	s0 =	simm.s32 $0x10080;
	v8 =	vld [tilespmem:s24+$0x70]  }
0x1d3: {  	v9 =	vld [tilespmem:s0+$0x70]  }
0x1d4: {  	v10 =	vld [tilespmem:s5+$0xFFFFFFF0]  }
0x1d5: {  	v11 =	vld [tilespmem:s5+$0x0]  }
0x1d6: {  	v12 =	vld [tilespmem:s5+$0x10]  }
0x1d7: {  	v13 =	vld [tilespmem:s5+$0x20]  }
0x1d8: {  	v14 =	vld [tilespmem:s5+$0x30]  }
0x1d9: {  	v47 =	vld [tilespmem:s5+$0x40]  }
0x1da: {  	v48 =	vld [tilespmem:s5+$0x60]  }
0x1db: {  	v15 =	vld [tilespmem:s5+$0xFFFFFF80]  }
0x1dc: {  	v16 =	vld [tilespmem:s0+$0xFFFFFF80]  }
0x1dd: {  	v17 =	vld [tilespmem:s0+$0xFFFFFF90]  }
0x1de: {  	v18 =	vld [tilespmem:s0+$0xFFFFFFA0]  }
0x1df: {  	v19 =	vld [tilespmem:s0+$0xFFFFFFB0]  }
0x1e0: {  	v20 =	vld [tilespmem:s0+$0xFFFFFFC0]  }
0x1e1: {  	v21 =	vld [tilespmem:s0+$0xFFFFFFD0]  }
0x1e2: {  	v22 =	vld [tilespmem:s0+$0xFFFFFFE0]  }
0x1e3: {  	v23 =	vld [tilespmem:s0+$0xFFFFFFF0]  }
0x1e4: {  	v24 =	vld [tilespmem:s0+$0x0]  }
0x1e5: {  	v25 =	vld [tilespmem:s24+$0xFFFFFF80]  }
0x1e6: {  	v26 =	vld [tilespmem:s0+$0x10]  }
0x1e7: {  	v27 =	vld [tilespmem:s0+$0x20]  }
0x1e8: {  	v28 =	vld [tilespmem:s0+$0x30]  }
0x1e9: {  	v29 =	vld [tilespmem:s24+$0xFFFFFF90]  }
0x1ea: {  	v30 =	vld [tilespmem:s0+$0x40]  }
0x1eb: {  	v49 =	vld [tilespmem:s0+$0x50]  }
0x1ec: {  	v31 =	vld [tilespmem:s24+$0xFFFFFFA0]  }
0x1ed: {  	v50 =	vld [tilespmem:s0+$0x60]  }
0x1ee: {  	v51 =	vld [tilespmem:s24+$0xFFFFFFB0]  }
0x1ef: {  	v52 =	vld [tilespmem:s24+$0xFFFFFFC0]  }
0x1f0: {  	v53 =	vld [tilespmem:s24+$0xFFFFFFE0]  }
0x1f1: {  	v54 =	vld [tilespmem:s24+$0xFFFFFFF0]  }
0x1f2: {  	v55 =	vld [tilespmem:s24+$0x10]  }
0x1f3: {  	v56 =	vld [tilespmem:s24+$0x20]  }
0x1f4: {  	v57 =	vld [tilespmem:s24+$0x30]  }
0x1f5: {  	v58 =	vld [tilespmem:s24+$0x40]  }
0x1f6: {  	v59 =	vld [tilespmem:s24+$0x50]  }
0x1f7: {  	v60 =	vld [tilespmem:s24+$0x60]  }
0x1f8: {  	v1 =	vld.idx.msk [tilespmem:v1+s6+$0x0], $0xffff  }
0x1f9: {  	v2 =	vld.idx.msk [tilespmem:v2+s6+$0x0], $0xffff  }
0x1fa: {  	v3 =	vld.idx.msk [tilespmem:v3+s6+$0x0], $0xffff  }
0x1fb: {  	v4 =	vld.idx.msk [tilespmem:v4+s6+$0x0], $0xffff  }
0x1fc: {  	v5 =	vld.idx.msk [tilespmem:v5+s6+$0x0], $0xffff  }
0x1fd: {  	v6 =	vld.idx.msk [tilespmem:v6+s6+$0x0], $0xffff  }
0x1fe: {  	v7 =	vld.idx.msk [tilespmem:v7+s6+$0x0], $0xffff  }
0x1ff: {  	v10 =	vld.idx.msk [tilespmem:v10+s6+$0x0], $0xffff  }
0x200: {  	v15 =	vld.idx.msk [tilespmem:v15+s6+$0x0], $0xffff  }
0x201: {  	v11 =	vld.idx.msk [tilespmem:v11+s6+$0x0], $0xffff  }
0x202: {  	v12 =	vld.idx.msk [tilespmem:v12+s6+$0x0], $0xffff  }
0x203: {  	v13 =	vld.idx.msk [tilespmem:v13+s6+$0x0], $0xffff  }
0x204: {  	v14 =	vld.idx.msk [tilespmem:v14+s6+$0x0], $0xffff;
	v1 =	vmul.f32 v1, v9  }
0x205: {  	v9 =	vld.idx.msk [tilespmem:v47+s6+$0x0], $0xffff  }
0x206: {  	[tilespmem:v8+s29+$0x0] =	vst.idx.add.f32.msk $0xffff, v1  }
0x207: {  	v15 =	vmul.f32 v15, v16;
	v1 =	vld [tilespmem:s5+$0x50]  }
0x208: {  	v2 =	vmul.f32 v2, v17;
	v8 =	vld.idx.msk [tilespmem:v48+s6+$0x0], $0xffff  }
0x209: {  	[tilespmem:v25+s29+$0x0] =	vst.idx.add.f32.msk $0xffff, v15  }
0x20a: {  	v3 =	vmul.f32 v3, v18;
	[tilespmem:v29+s29+$0x0] =	vst.idx.add.f32.msk $0xffff, v2  }
0x20b: {  	v2 =	vld [tilespmem:s24+$0xFFFFFFD0]  }
0x20c: {  	v4 =	vmul.f32 v4, v19;
	[tilespmem:v31+s29+$0x0] =	vst.idx.add.f32.msk $0xffff, v3  }
0x20d: {  	v5 =	vmul.f32 v5, v20;
	v3 =	vld [tilespmem:s24+$0x0]  }
0x20e: {  	v7 =	vmul.f32 v7, v22;
	[tilespmem:v51+s29+$0x0] =	vst.idx.add.f32.msk $0xffff, v4  }
0x20f: {  	v61 =	vmul.f32 v10, v23;
	[tilespmem:v52+s29+$0x0] =	vst.idx.add.f32.msk $0xffff, v5  }
0x210: {  	[tilespmem:v53+s29+$0x0] =	vst.idx.add.f32.msk $0xffff, v7  }
0x211: {  	v6 =	vmul.f32 v6, v21;
	[tilespmem:v54+s29+$0x0] =	vst.idx.add.f32.msk $0xffff, v61  }
0x212: {  	v62 =	vmul.f32 v12, v26;
	v1 =	vld.idx.msk [tilespmem:v1+s6+$0x0], $0xffff  }
0x213: {  	[tilespmem:v2+s29+$0x0] =	vst.idx.add.f32.msk $0xffff, v6;
	v2 =	vmul.f32 v11, v24  }
0x214: {  	v63 =	vmul.f32 v13, v27;
	[tilespmem:v55+s29+$0x0] =	vst.idx.add.f32.msk $0xffff, v62  }
0x215: {  	[tilespmem:v3+s29+$0x0] =	vst.idx.add.f32.msk $0xffff, v2;
	v2 =	vmul.f32 v14, v28  }
0x216: {  	[tilespmem:v56+s29+$0x0] =	vst.idx.add.f32.msk $0xffff, v63;
	v3 =	vmul.f32 v9, v30  }
0x217: {  	[tilespmem:v57+s29+$0x0] =	vst.idx.add.f32.msk $0xffff, v2;
	v2 =	vmul.f32 v8, v50  }
0x218: {  	[tilespmem:v58+s29+$0x0] =	vst.idx.add.f32.msk $0xffff, v3;
	v1 =	vmul.f32 v1, v49  }
0x219: {  	[tilespmem:v60+s29+$0x0] =	vst.idx.add.f32.msk $0xffff, v2  }
0x21a: {  	s15 =	simm.s32 $0xD180;
	s5 =	simm.s32 $0x0;
	[tilespmem:v59+s29+$0x0] =	vst.idx.add.f32.msk $0xffff, v1  }
.LBB2_10:
0x21b: {  	v1 =	vld [tilespmem:s15+$0x70];
	s5 =	sadd.s32 $0x10, s5  }
0x21c: {  	v2 =	vld [tilespmem:s15+$0xFFFFFF90];
	p1 =	slt.u32 s5, $0xF0  }
0x21d: {  	v3 =	vld [tilespmem:s15+$0xFFFFFFA0]  }
0x21e: {  	v4 =	vld [tilespmem:s15+$0xFFFFFFB0]  }
0x21f: {  	v5 =	vld [tilespmem:s15+$0xFFFFFFC0]  }
0x220: {  	v6 =	vld [tilespmem:s15+$0xFFFFFFD0]  }
0x221: {  	s24 =	sadd.s32 $0x100, s24;
	v7 =	vld [tilespmem:s15+$0xFFFFFFE0]  }
0x222: {  	v8 =	vld [tilespmem:s24+$0x70]  }
0x223: {  	s0 =	sadd.s32 $0x100, s0;
	v1 =	vld.idx.msk [tilespmem:v1+s6+$0x0], $0xffff  }
0x224: {  	v9 =	vld [tilespmem:s0+$0x70]  }
0x225: {  	v10 =	vld [tilespmem:s15+$0xFFFFFFF0]  }
0x226: {  	v11 =	vld [tilespmem:s15+$0x0]  }
0x227: {  	v12 =	vld [tilespmem:s15+$0x10]  }
0x228: {  	v13 =	vld [tilespmem:s15+$0x20]  }
0x229: {  	v14 =	vld [tilespmem:s15+$0x30];
	v1 =	vmul.f32 v1, v9  }
0x22a: {  	v9 =	vld [tilespmem:s15+$0x40]  }
0x22b: {  	[tilespmem:v8+s29+$0x0] =	vst.idx.add.f32.msk $0xffff, v1  }
0x22c: {  	v1 =	vld [tilespmem:s15+$0x50]  }
0x22d: {  	v8 =	vld [tilespmem:s15+$0x60]  }
0x22e: {  	v15 =	vld [tilespmem:s15+$0xFFFFFF80]  }
0x22f: {  	v2 =	vld.idx.msk [tilespmem:v2+s6+$0x0], $0xffff  }
0x230: {  	v3 =	vld.idx.msk [tilespmem:v3+s6+$0x0], $0xffff  }
0x231: {  	v4 =	vld.idx.msk [tilespmem:v4+s6+$0x0], $0xffff  }
0x232: {  	v5 =	vld.idx.msk [tilespmem:v5+s6+$0x0], $0xffff  }
0x233: {  	v6 =	vld.idx.msk [tilespmem:v6+s6+$0x0], $0xffff  }
0x234: {  	v7 =	vld.idx.msk [tilespmem:v7+s6+$0x0], $0xffff  }
0x235: {  	v10 =	vld.idx.msk [tilespmem:v10+s6+$0x0], $0xffff  }
0x236: {  	v15 =	vld.idx.msk [tilespmem:v15+s6+$0x0], $0xffff  }
0x237: {  	v11 =	vld.idx.msk [tilespmem:v11+s6+$0x0], $0xffff  }
0x238: {  	v12 =	vld.idx.msk [tilespmem:v12+s6+$0x0], $0xffff  }
0x239: {  	v13 =	vld.idx.msk [tilespmem:v13+s6+$0x0], $0xffff  }
0x23a: {  	v14 =	vld.idx.msk [tilespmem:v14+s6+$0x0], $0xffff  }
0x23b: {  	v9 =	vld.idx.msk [tilespmem:v9+s6+$0x0], $0xffff  }
0x23c: {  	v1 =	vld.idx.msk [tilespmem:v1+s6+$0x0], $0xffff  }
0x23d: {  	v8 =	vld.idx.msk [tilespmem:v8+s6+$0x0], $0xffff  }
0x23e: {  	v16 =	vld [tilespmem:s0+$0xFFFFFF80]  }
0x23f: {  	v17 =	vld [tilespmem:s0+$0xFFFFFF90]  }
0x240: {  	v18 =	vld [tilespmem:s0+$0xFFFFFFA0]  }
0x241: {  	v19 =	vld [tilespmem:s0+$0xFFFFFFB0]  }
0x242: {  	v20 =	vld [tilespmem:s0+$0xFFFFFFC0]  }
0x243: {  	v15 =	vmul.f32 v15, v16;
	v16 =	vld [tilespmem:s0+$0xFFFFFFD0]  }
0x244: {  	v2 =	vmul.f32 v2, v17;
	v17 =	vld [tilespmem:s0+$0xFFFFFFE0]  }
0x245: {  	v3 =	vmul.f32 v3, v18;
	v18 =	vld [tilespmem:s0+$0xFFFFFFF0]  }
0x246: {  	v4 =	vmul.f32 v4, v19;
	v19 =	vld [tilespmem:s0+$0x0]  }
0x247: {  	v5 =	vmul.f32 v5, v20;
	v20 =	vld [tilespmem:s0+$0x10]  }
0x248: {  	v6 =	vmul.f32 v6, v16;
	v16 =	vld [tilespmem:s0+$0x20]  }
0x249: {  	v7 =	vmul.f32 v7, v17;
	v17 =	vld [tilespmem:s0+$0x30]  }
0x24a: {  	v10 =	vmul.f32 v10, v18;
	v18 =	vld [tilespmem:s0+$0x40]  }
0x24b: {  	v11 =	vmul.f32 v11, v19;
	v19 =	vld [tilespmem:s0+$0x50]  }
0x24c: {  	v12 =	vmul.f32 v12, v20;
	v20 =	vld [tilespmem:s0+$0x60]  }
0x24d: {  	v21 =	vld [tilespmem:s24+$0xFFFFFF80];
	v13 =	vmul.f32 v13, v16  }
0x24e: {  	v16 =	vld [tilespmem:s24+$0xFFFFFF90];
	v14 =	vmul.f32 v14, v17  }
0x24f: {  	v17 =	vld [tilespmem:s24+$0xFFFFFFA0];
	v9 =	vmul.f32 v9, v18  }
0x250: {  	v18 =	vld [tilespmem:s24+$0xFFFFFFB0];
	v1 =	vmul.f32 v1, v19  }
0x251: {  	v19 =	vld [tilespmem:s24+$0xFFFFFFC0];
	v8 =	vmul.f32 v8, v20  }
0x252: {  	v20 =	vld [tilespmem:s24+$0xFFFFFFD0]  }
0x253: {  	v22 =	vld [tilespmem:s24+$0xFFFFFFE0]  }
0x254: {  	v23 =	vld [tilespmem:s24+$0xFFFFFFF0]  }
0x255: {  	v24 =	vld [tilespmem:s24+$0x0]  }
0x256: {  	v25 =	vld [tilespmem:s24+$0x10]  }
0x257: {  	v26 =	vld [tilespmem:s24+$0x20]  }
0x258: {  	v27 =	vld [tilespmem:s24+$0x30]  }
0x259: {  	v28 =	vld [tilespmem:s24+$0x40]  }
0x25a: {  	v29 =	vld [tilespmem:s24+$0x50]  }
0x25b: {  	v30 =	vld [tilespmem:s24+$0x60]  }
0x25c: {  	[tilespmem:v21+s29+$0x0] =	vst.idx.add.f32.msk $0xffff, v15  }
0x25d: {  	[tilespmem:v16+s29+$0x0] =	vst.idx.add.f32.msk $0xffff, v2  }
0x25e: {  	[tilespmem:v17+s29+$0x0] =	vst.idx.add.f32.msk $0xffff, v3  }
0x25f: {  	[tilespmem:v18+s29+$0x0] =	vst.idx.add.f32.msk $0xffff, v4  }
0x260: {  	[tilespmem:v19+s29+$0x0] =	vst.idx.add.f32.msk $0xffff, v5  }
0x261: {  	[tilespmem:v20+s29+$0x0] =	vst.idx.add.f32.msk $0xffff, v6  }
0x262: {  	[tilespmem:v22+s29+$0x0] =	vst.idx.add.f32.msk $0xffff, v7  }
0x263: {  	[tilespmem:v23+s29+$0x0] =	vst.idx.add.f32.msk $0xffff, v10  }
0x264: {  	[tilespmem:v24+s29+$0x0] =	vst.idx.add.f32.msk $0xffff, v11  }
0x265: {  	[tilespmem:v25+s29+$0x0] =	vst.idx.add.f32.msk $0xffff, v12  }
.Ltmp8:
0x266: {  	[tilespmem:v26+s29+$0x0] =	vst.idx.add.f32.msk $0xffff, v13;
	(pc) =	sbr.rel @p1 .LBB2_10-.Ltmp8, $4  }
0x267: {  	[tilespmem:v27+s29+$0x0] =	vst.idx.add.f32.msk $0xffff, v14  }
0x268: {  	[tilespmem:v28+s29+$0x0] =	vst.idx.add.f32.msk $0xffff, v9  }
0x269: {  	[tilespmem:v29+s29+$0x0] =	vst.idx.add.f32.msk $0xffff, v1  }
0x26a: {  	s15 =	sadd.s32 $0x100, s15;
	[tilespmem:v30+s29+$0x0] =	vst.idx.add.f32.msk $0xffff, v8  }
.Ltmp9:
0x26b: {  	_ = 	snop;
	(pc) =	sbr.rel .LBB2_11-.Ltmp9, $1  }
0x26c: {  	_ =	sdelay $0x3  }
.LBB2_12:
.Ltmp10:
0x26d: {  	(pc) =	sbr.rel @p0 .LBB2_16-.Ltmp10, $1  }
0x26e: {  	_ =	sdelay $0x3  }
0x26f: {  	s0 =	simm.s32 $0x0;
	s5 =	rddreg [dreg:$0x6]  }
0x270: {  	[tilespmem:s20], [sflag:$0x4] =	stream.linear.gather [hbm4b:s5+s0], $0x5C2, $0x38;
	[tilespmem:$0x11000] =	vst v63  }
0x271: {  	_ =	swait.ge [sflag:s26], $0x5C2  }
0x272: {  	[sflag:s26] =	ssyncset.done $0x0  }
0x273: {  	[sflag:s26] =	ssyncadd.s32 $0xFFFFFA3E  }
0x274: {  	[tilespmem:s21], [sflag:$0x4] =	stream.linear.gather [hbm4b:s16+s0], $0x5C2, $0x38;
	[tilespmem:$0x11000] =	vst v63  }
0x275: {  	_ =	swait.ge [sflag:s26], $0x5C2  }
0x276: {  	[sflag:s26] =	ssyncset.done $0x0  }
0x277: {  	[sflag:s26] =	ssyncadd.s32 $0xFFFFFA3E  }
0x278: {  	[tilespmem:s22], [sflag:$0x4] =	stream.linear.gather [hbm4b:s17+s0], $0x5C2, $0x38;
	[tilespmem:$0x11000] =	vst v63  }
0x279: {  	_ =	swait.ge [sflag:s26], $0x5C2  }
0x27a: {  	[sflag:s26] =	ssyncset.done $0x0  }
0x27b: {  	s25 =	simm.s32 $0x0;
	[sflag:s26] =	ssyncadd.s32 $0xFFFFFA3E  }
0x27c: {  	v3 =	vld [tilespmem:s25+$0xB000];
	_ =	sdelay $0x5  }
0x27d: {  	v2 =	vld [tilespmem:s25+$0x8000]  }
0x27e: {  	v1 =	vld [tilespmem:s25+$0xE000]  }
0x27f: {  	s5 =	simm.s32 $0x80;
	s0 =	simm.s32 $0x10;
	v3 =	vld.idx.msk [tilespmem:v3+s6+$0x0], $0xffff  }
.LBB2_14:
0x280: {  	p1 =	sne.s32 s5, $0x16C0;
	v4 =	vld [tilespmem:s0+$0xB000];
	_ =	sdelay $0x1  }
0x281: {  	v5 =	vmov v2;
	_ =	sdelay $0x1  }
.Ltmp11:
0x282: {  	(pc) =	sbr.rel @p1 .LBB2_14-.Ltmp11, $4  }
0x283: {  	v3 =	vmul.f32 v3, v1;
	v1 =	vld [tilespmem:s0+$0xE000]  }
0x284: {  	v2 =	vld [tilespmem:s0+$0x8000]  }
0x285: {  	[tilespmem:v5+s29+$0x0] =	vst.idx.add.f32.msk $0xffff, v3  }
0x286: {  	s0 =	sshra.s32 s5, $0x2;
	s5 =	sadd.s32 $0x40, s5;
	v3 =	vld.idx.msk [tilespmem:v4+s6+$0x0], $0xffff  }
0x287: {  	v4 =	vld [tilespmem:s0+$0xB000];
	_ =	sdelay $0x5  }
0x288: {  	v5 =	vld [tilespmem:s0+$0xE000]  }
0x289: {  	v6 =	vld [tilespmem:s0+$0x8000]  }
0x28a: {  	v4 =	vld.idx.msk [tilespmem:v4+s6+$0x0], $0xffff;
	_ =	sdelay $0x3  }
0x28b: {  	v1 =	vmul.f32 v3, v1  }
0x28c: {  	v3 =	vmul.f32 v4, v5  }
0x28d: {  	[tilespmem:v2+s29+$0x0] =	vst.idx.add.f32.msk $0xffff, v1  }
0x28e: {  	[tilespmem:v6+s29+$0x0] =	vst.idx.add.f32.msk $0xffff, v3  }
0x28f: {  	v1 =	vld [tilespmem:$0xB5C0];
	_ =	sdelay $0x5  }
0x290: {  	v2 =	vld [tilespmem:$0x85C0]  }
0x291: {  	v3 =	vld [tilespmem:$0xE5C0]  }
0x292: {  	v1 =	vld.idx.msk [tilespmem:v1+s6+$0x0], $0x3;
	_ =	sdelay $0x2  }
.Ltmp12:
0x293: {  	_ = 	snop;
	(pc) =	sbr.rel .LBB2_16-.Ltmp12, $3  }
0x294: {  	_ = 	snop  }
0x295: {  	v1 =	vmul.f32 v1, v3;
	_ =	sdelay $0x1  }
0x296: {  	[tilespmem:v2+s29+$0x0] =	vst.idx.add.f32.msk $0x3, v1  }
.LBB2_17:
0x297: {  	_ =	sfence.sel $0x180000  }
0x298: {  	[bflag:$0x0] =	sbarrier.arrive $0xFFFF  }
0x299: {  	_ =	strace $0x90000047  }
0x29a: {  	s0 =	stileid.u32;
	[bflag:$0x2] =	sbarrier.arrive $0xFFFF  }
0x29b: {  	p0 =	sne.s32 s0, $0x0;
	s0 =	rddreg [dreg:$0x5]  }
0x29c: {  	s0 =	sadd.s32 @!p0 $0x100000, s0  }
0x29d: {  	[sflag:s0] =	ssyncadd.tile.s32 @!p0 $0x1;
	_ =	shalt  }
.Lfunc_end2:
_tile_overlayer_lowered:
.L_overlay_start_2:
0x29e: {  	(tag) =	ssettag $0x2  }
0x29f: {  	s0 =	rddreg [dreg:$0x0];
	s2 =	stileid.u32  }
0x2a0: {  	s1 =	rddreg [dreg:$0x1];
	p0 =	sne.s32 s2, $0x0  }
0x2a1: {  	s3 =	rddreg [dreg:$0x2];
	[bflag:$0x3] =	sbarrier.arrive $0xFFFF;
	s2 =	simm.s32 @!p0 $0x1C04  }
0x2a2: {  	[timem:s3], [sflag:s2] =	dma.local @!p0 [hbm:s0], s1  }
0x2a3: {  	s0 =	simm.s32 @!p0 $0x4  }
0x2a4: {  	_ =	swait.ge @!p0 [sflag:s0], s1  }
0x2a5: {  	s1 =	ssub.s32 @!p0 $0x0, s1;
	[sflag:s0] =	ssyncset.done @!p0 $0x0  }
0x2a6: {  	[sflag:s0] =	ssyncadd.s32 @!p0 s1  }
0x2a7: {  	[bflag:$0x3] =	sbarrier.arrive $0xFFFF  }
0x2a8: {  	_ =	shalt  }

</sc_bundles>
